<compile_context>
chip_gen: v7x
topology: tpu7x:2x2x1
jax: 0.10.2.dev20260603
libtpu: 0.0.44.dev20260713+nightly
codegen_flags: <defaults>
</compile_context>

<pallas_src>
import functools

import jax
import jax.numpy as jnp
from jax import lax
from jax.experimental import pallas as pl
from jax.experimental.pallas import tpu as pltpu
from jax.experimental.pallas import tpu_sc as plsc

N = 10000
E = 320000
F = 128

NC = 2
NS = 16
NW = NC * NS
CHUNK = 128
K0 = 128
K1 = 32
DBLK = 8
NCHUNKS = NS * (K0 + K1)
NCPAD = NCHUNKS + K0 - K1
EPAD = NCHUNKS * CHUNK
NACC = 10112
RPA = NACC // NS


def _mesh():
    return plsc.VectorSubcoreMesh(core_axis_name="c", subcore_axis_name="s")


@functools.partial(
    pl.kernel,
    out_type=jax.ShapeDtypeStruct((NC, NACC, F), jnp.float32),
    mesh=_mesh(),
    scratch_types=[
        pltpu.VMEM((K0, CHUNK), jnp.int32),
        pltpu.VMEM((DBLK, CHUNK), jnp.int32),
        pltpu.VMEM((2, CHUNK, F), jnp.float32),
        pltpu.VMEM_SHARED((NACC, F), jnp.float32),
        pltpu.SemaphoreType.DMA,
        pltpu.SemaphoreType.DMA,
    ],
)
def _sc_aggregate(g_hbm, src_hbm, dst_hbm, zeros_hbm, out_hbm,
                  src_v, dst_v, rows_v, acc, gsem, ssem):
    cid = lax.axis_index("c")
    sid = lax.axis_index("s")
    r0 = sid * RPA
    roff = jnp.where(cid == 0, sid * K0, NS * K0 + sid * K1)
    kc = jnp.where(cid == 0, K0, K1)
    pltpu.sync_copy(zeros_hbm.at[pl.ds(r0, RPA)], acc.at[pl.ds(r0, RPA)])
    pltpu.sync_copy(src_hbm.at[pl.ds(roff, K0)], src_v)
    plsc.subcore_barrier()

    pltpu.async_copy(g_hbm.at[src_v.at[0]], rows_v.at[0], gsem)

    def blk_body(bi, _):
        @pl.when(bi >= 1)
        def _():
            pltpu.make_async_copy(
                rows_v.at[0], acc.at[dst_v.at[0]], ssem).wait()

        pltpu.sync_copy(dst_hbm.at[pl.ds(roff + bi * DBLK, DBLK)], dst_v)

        def body(jj, _):
            j = bi * DBLK + jj
            b = lax.rem(j, 2)
            pltpu.make_async_copy(
                g_hbm.at[src_v.at[j]], rows_v.at[b], gsem).wait()

            @pl.when(jj >= 1)
            def _():
                pltpu.make_async_copy(
                    rows_v.at[1 - b], acc.at[dst_v.at[jj]], ssem).wait()

            @pl.when(j + 1 < kc)
            def _():
                pltpu.async_copy(
                    g_hbm.at[src_v.at[j + 1]], rows_v.at[1 - b], gsem)

            pltpu.async_copy(
                rows_v.at[b], acc.at[dst_v.at[jj]], ssem, add=True)
            return 0

        lax.fori_loop(0, DBLK, body, 0)
        return 0

    lax.fori_loop(0, kc // DBLK, blk_body, 0)
    pltpu.make_async_copy(rows_v.at[0], acc.at[dst_v.at[0]], ssem).wait()
    plsc.subcore_barrier()
    pltpu.sync_copy(acc.at[pl.ds(r0, RPA)], out_hbm.at[cid, pl.ds(r0, RPA)])


_BR = 1000


def _tc_prep_body(dega_ref, degb_ref, feat_ref, norm_ref, inv1_ref,
                  g_ref, s_ref):
    deg = dega_ref[0, :, 0:1] + degb_ref[0, :, 0:1]
    deg = jnp.maximum(deg, 1.0)
    norm = jax.lax.rsqrt(deg)
    inv1 = 1.0 / (deg + 1.0)
    normb = jnp.broadcast_to(norm, (_BR, F))
    inv1b = jnp.broadcast_to(inv1, (_BR, F))
    f = feat_ref[...]
    norm_ref[...] = normb
    inv1_ref[...] = inv1b
    g_ref[...] = f * normb
    s_ref[...] = f * inv1b


def _tc_prep(degp, feat):
    grid = (N // _BR,)
    return pl.pallas_call(
        _tc_prep_body,
        grid=grid,
        in_specs=[
            pl.BlockSpec((1, _BR, F), lambda i: (0, i, 0)),
            pl.BlockSpec((1, _BR, F), lambda i: (1, i, 0)),
            pl.BlockSpec((_BR, F), lambda i: (i, 0)),
        ],
        out_specs=[pl.BlockSpec((_BR, F), lambda i: (i, 0))] * 4,
        out_shape=[jax.ShapeDtypeStruct((N, F), jnp.float32)] * 4,
    )(degp, degp, feat)


def _tc_combine_body(agga_ref, aggb_ref, norm_ref, inv1_ref, s_ref,
                     g_ref, s2_ref):
    agg = agga_ref[0] + aggb_ref[0]
    normb = norm_ref[...]
    f = agg * normb + s_ref[...]
    g_ref[...] = f * normb
    s2_ref[...] = f * inv1_ref[...]


def _tc_combine(aggp, normb, inv1b, s):
    grid = (N // _BR,)
    return pl.pallas_call(
        _tc_combine_body,
        grid=grid,
        in_specs=[
            pl.BlockSpec((1, _BR, F), lambda i: (0, i, 0)),
            pl.BlockSpec((1, _BR, F), lambda i: (1, i, 0)),
        ] + [pl.BlockSpec((_BR, F), lambda i: (i, 0))] * 3,
        out_specs=[pl.BlockSpec((_BR, F), lambda i: (i, 0))] * 2,
        out_shape=[jax.ShapeDtypeStruct((N, F), jnp.float32)] * 2,
    )(aggp, aggp, normb, inv1b, s)


def _tc_final_body(agga_ref, aggb_ref, norm_ref, s_ref, wt_ref, b_ref,
                   out_ref):
    agg = agga_ref[0] + aggb_ref[0]
    f = agg * norm_ref[...] + s_ref[...]
    out_ref[...] = (
        jnp.dot(f, wt_ref[...], preferred_element_type=jnp.float32)
        + b_ref[...]
    )


def _tc_final(aggp, normb, s, wt, b2):
    grid = (N // _BR,)
    return pl.pallas_call(
        _tc_final_body,
        grid=grid,
        in_specs=[
            pl.BlockSpec((1, _BR, F), lambda i: (0, i, 0)),
            pl.BlockSpec((1, _BR, F), lambda i: (1, i, 0)),
            pl.BlockSpec((_BR, F), lambda i: (i, 0)),
            pl.BlockSpec((_BR, F), lambda i: (i, 0)),
            pl.BlockSpec((F, F), lambda i: (0, 0)),
            pl.BlockSpec((1, F), lambda i: (0, 0)),
        ],
        out_specs=pl.BlockSpec((_BR, F), lambda i: (i, 0)),
        out_shape=jax.ShapeDtypeStruct((N, F), jnp.float32),
    )(aggp, aggp, normb, s, wt, b2)


def kernel(feat, edge_index, W, b):
    src = edge_index[0]
    dst = edge_index[1]
    srcr = jnp.concatenate(
        [src, jnp.zeros((NCPAD * CHUNK - E,), jnp.int32)]).reshape(
            NCPAD, CHUNK)
    dstr = jnp.concatenate(
        [dst, jnp.full((NCPAD * CHUNK - E,), N, jnp.int32)]).reshape(
            NCPAD, CHUNK)

    zeros_f = jnp.zeros((NACC, F), jnp.float32)
    ones_t = jnp.ones((N, F), jnp.float32)

    seqr = (jnp.arange(NCPAD * CHUNK, dtype=jnp.int32) % N).reshape(
        NCPAD, CHUNK)
    degp = _sc_aggregate(ones_t, seqr, dstr, zeros_f)
    normb, inv1b, g0, s0 = _tc_prep(degp, feat)
    agg0 = _sc_aggregate(g0, srcr, dstr, zeros_f)
    g1, s1 = _tc_combine(agg0, normb, inv1b, s0)
    agg1 = _sc_aggregate(g1, srcr, dstr, zeros_f)
    out = _tc_final(agg1, normb, s1, W.T, b.reshape(1, F))
    return out

# --- scband reference (transcript-rebuilt; emitter-appended) ---
"""Pipeline reference for scband-sgconv-layer-64132451664695 (READ-ONLY COPY).

The authoritative reference and input builder live on the scoring server;
editing this copy changes nothing except your own understanding.
"""

import jax, jax.numpy as jnp
import numpy as np

N_NODES = 10000
N_EDGES = 320000
IN_FEATS = 128
OUT_FEATS = 128
K_HOPS = 2


def setup_inputs(seed: int = 0) -> dict:
    key = jax.random.key(seed)
    k1, k2, k3 = jax.random.split(key, 3)
    feat = jax.random.normal(k1, (N_NODES, IN_FEATS), dtype=jnp.float32)
    edge_index = jax.random.randint(k2, (2, N_EDGES), 0, N_NODES, dtype=jnp.int32)
    # xavier_uniform for fc.weight [out_feats, in_feats]
    limit = float(np.sqrt(6.0 / (IN_FEATS + OUT_FEATS)))
    W = jax.random.uniform(k3, (OUT_FEATS, IN_FEATS), dtype=jnp.float32, minval=-limit, maxval=limit)
    b = jnp.zeros((OUT_FEATS,), dtype=jnp.float32)
    return {"feat": feat, "edge_index": edge_index, "W": W, "b": b}


def reference(feat, edge_index, W, b):
    src = edge_index[0]
    dst = edge_index[1]
    n = feat.shape[0]
    e = edge_index.shape[1]
    # in_degrees (messages flow src -> dst, sum aggregated at dst)
    degs = jax.ops.segment_sum(jnp.ones((e,), dtype=jnp.float32), dst, num_segments=n)
    degs = jnp.clip(degs, 1.0, None)
    norm = jnp.power(degs, -0.5)[:, None]
    for _ in range(K_HOPS):
        sfeat = feat / (degs + 1.0)[:, None]
        feat = feat * norm
        # copy_u + sum: gather src features, scatter-add into dst
        agg = jax.ops.segment_sum(feat[src], dst, num_segments=n)
        feat = agg * norm
        feat = feat + sfeat
    out = feat @ W.T + b
    return out

if __name__ == "__main__":
    import jax
    _d = setup_inputs()
    print(jax.jit(kernel)(*tuple(_d.values())))

</pallas_src>

<mosaic_0001>
#map = affine_map<(d0, d1) -> (0, 0)>
#map1 = affine_map<(d0, d1) -> (0, 0, 0)>
module attributes {stable_mosaic.version = 14 : i64} {
  func.func @_sc_aggregate(%arg0: i32, %arg1: i32, %arg2: memref<10000x128xf32, #tpu.memory_space<hbm>>, %arg3: memref<2656x128xi32, #tpu.memory_space<hbm>>, %arg4: memref<2656x128xi32, #tpu.memory_space<hbm>>, %arg5: memref<10112x128xf32, #tpu.memory_space<hbm>>, %arg6: memref<2x10112x128xf32, #tpu.memory_space<hbm>>, %arg7: memref<128x128xi32, #tpu.memory_space<vmem>>, %arg8: memref<8x128xi32, #tpu.memory_space<vmem>>, %arg9: memref<2x128x128xf32, #tpu.memory_space<vmem>>, %arg10: memref<10112x128xf32, #tpu.memory_space<vmem_shared>>, %arg11: memref<!tpu.dma_semaphore, #tpu.memory_space<semaphore_mem>>, %arg12: memref<!tpu.dma_semaphore, #tpu.memory_space<semaphore_mem>>) attributes {dimension_semantics = [#tpu.dimension_semantics<core_parallel>, #tpu.dimension_semantics<subcore_parallel>], iteration_bounds = array<i64: 2, 16>, scalar_prefetch = 0 : i64, scratch_operands = 6 : i64, tpu.core_type = #tpu.core_type<sc_vector_subcore>, window_params = [{transform_indices = #map}, {transform_indices = #map}, {transform_indices = #map}, {transform_indices = #map}, {transform_indices = #map1}]} {
    %mul3A = arith.constant 632 : i32
    %mul3A_0 = arith.muli %arg1, %mul3A : i32
    %eq3A = arith.constant 0 : i32
    %eq3A_1 = arith.cmpi eq, %arg0, %eq3A : i32
    %mul3A_2 = arith.constant 128 : i32
    %mul3A_3 = arith.muli %arg1, %mul3A_2 : i32
    %mul3A_4 = arith.constant 32 : i32
    %mul3A_5 = arith.muli %arg1, %mul3A_4 : i32
    %add3A = arith.constant 2048 : i32
    %add3A_6 = arith.addi %add3A, %mul3A_5 : i32
    %select_n3A = arith.select %eq3A_1, %mul3A_3, %add3A_6 : i32
    %eq3A_7 = arith.constant 0 : i32
    %eq3A_8 = arith.cmpi eq, %arg0, %eq3A_7 : i32
    %jit3A = arith.constant 128 : i32
    %jit3A_9 = arith.constant 32 : i32
    %select_n3A_10 = arith.select %eq3A_8, %jit3A, %jit3A_9 : i32
    "tpu.region"() ({
      %run_scoped3A = tpu.sem_alloc : memref<!tpu.dma_semaphore, #tpu.memory_space<semaphore_mem>>
      %dma_start3A_63 = arith.constant 0 : i32
      %dma_start3A_64 = tpu.memref_slice %arg10[%mul3A_0, %dma_start3A_63] : memref<10112x128xf32, #tpu.memory_space<vmem_shared>> -> memref<632x128xf32, #tpu.memory_space<vmem_shared>>
      %dma_start3A_65 = arith.constant 0 : i32
      %dma_start3A_66 = tpu.memref_slice %arg5[%mul3A_0, %dma_start3A_65] : memref<10112x128xf32, #tpu.memory_space<hbm>> -> memref<632x128xf32, #tpu.memory_space<hbm>>
      tpu.enqueue_dma source(%dma_start3A_66 : memref<632x128xf32, #tpu.memory_space<hbm>>) target(%dma_start3A_64 : memref<632x128xf32, #tpu.memory_space<vmem_shared>>) target_semaphore(%run_scoped3A : memref<!tpu.dma_semaphore, #tpu.memory_space<semaphore_mem>>)
      %dma_wait3A_67 = arith.constant 0 : i32
      %dma_wait3A_68 = tpu.memref_slice %arg10[%mul3A_0, %dma_wait3A_67] : memref<10112x128xf32, #tpu.memory_space<vmem_shared>> -> memref<632x128xf32, #tpu.memory_space<vmem_shared>>
      %dma_wait3A_69 = arith.constant 0 : i32
      %dma_wait3A_70 = tpu.memref_slice %arg5[%mul3A_0, %dma_wait3A_69] : memref<10112x128xf32, #tpu.memory_space<hbm>> -> memref<632x128xf32, #tpu.memory_space<hbm>>
      tpu.wait_dma2 semaphore(%run_scoped3A : memref<!tpu.dma_semaphore, #tpu.memory_space<semaphore_mem>>) src(%dma_wait3A_70 : memref<632x128xf32, #tpu.memory_space<hbm>>) dst(%dma_wait3A_68 : memref<632x128xf32, #tpu.memory_space<vmem_shared>>)
      tpu.yield
    }) : () -> ()
    "tpu.region"() ({
      %run_scoped3A = tpu.sem_alloc : memref<!tpu.dma_semaphore, #tpu.memory_space<semaphore_mem>>
      %dma_start3A_63 = arith.constant 0 : i32
      %dma_start3A_64 = tpu.memref_slice %arg3[%select_n3A, %dma_start3A_63] : memref<2656x128xi32, #tpu.memory_space<hbm>> -> memref<128x128xi32, #tpu.memory_space<hbm>>
      %dma_start3A_65 = arith.constant 0 : i32
      %dma_start3A_66 = tpu.memref_slice %arg3[%select_n3A, %dma_start3A_65] : memref<2656x128xi32, #tpu.memory_space<hbm>> -> memref<128x128xi32, #tpu.memory_space<hbm>>
      tpu.enqueue_dma source(%dma_start3A_66 : memref<128x128xi32, #tpu.memory_space<hbm>>) target(%arg7 : memref<128x128xi32, #tpu.memory_space<vmem>>) target_semaphore(%run_scoped3A : memref<!tpu.dma_semaphore, #tpu.memory_space<semaphore_mem>>)
      %dma_wait3A_67 = arith.constant 0 : i32
      %dma_wait3A_68 = tpu.memref_slice %arg3[%select_n3A, %dma_wait3A_67] : memref<2656x128xi32, #tpu.memory_space<hbm>> -> memref<128x128xi32, #tpu.memory_space<hbm>>
      %dma_wait3A_69 = arith.constant 0 : i32
      %dma_wait3A_70 = tpu.memref_slice %arg3[%select_n3A, %dma_wait3A_69] : memref<2656x128xi32, #tpu.memory_space<hbm>> -> memref<128x128xi32, #tpu.memory_space<hbm>>
      tpu.wait_dma2 semaphore(%run_scoped3A : memref<!tpu.dma_semaphore, #tpu.memory_space<semaphore_mem>>) src(%dma_wait3A_70 : memref<128x128xi32, #tpu.memory_space<hbm>>) dst(%arg7 : memref<128x128xi32, #tpu.memory_space<vmem>>)
      tpu.yield
    }) : () -> ()
    %barrier3A = arith.constant 0 : index
    tpu.barrier barrier_id(%barrier3A)
    %dma_start3A = arith.constant 0 : i32
    %dma_start3A_11 = arith.constant 0 : i32
    %dma_start3A_12 = arith.constant 0 : i32
    %dma_start3A_13 = arith.constant 0 : i32
    %dma_start3A_14 = tpu.memref_slice %arg9[%dma_start3A_11, %dma_start3A_12, %dma_start3A_13] : memref<2x128x128xf32, #tpu.memory_space<vmem>> -> memref<1x128x128xf32, #tpu.memory_space<vmem>>
    %dma_start3A_15 = tpu.memref_squeeze %dma_start3A_14 : memref<1x128x128xf32, #tpu.memory_space<vmem>> -> memref<128x128xf32, #tpu.memory_space<vmem>>
    %dma_start3A_16 = arith.constant 0 : i32
    %dma_start3A_17 = tpu.memref_slice %arg7[%dma_start3A, %dma_start3A_16] : memref<128x128xi32, #tpu.memory_space<vmem>> -> memref<1x128xi32, #tpu.memory_space<vmem>>
    %dma_start3A_18 = tpu.memref_squeeze %dma_start3A_17 : memref<1x128xi32, #tpu.memory_space<vmem>> -> memref<128xi32, #tpu.memory_space<vmem>>
    %dma_start3A_19 = arith.constant 0 : i32
    %dma_start3A_20 = arith.constant 0 : i32
    %dma_start3A_21 = tpu.memref_slice %arg2[%dma_start3A_19, %dma_start3A_20] : memref<10000x128xf32, #tpu.memory_space<hbm>> -> memref<10000x128xf32, #tpu.memory_space<hbm>>
    tpu.enqueue_indirect_dma source(%dma_start3A_21 : memref<10000x128xf32, #tpu.memory_space<hbm>>) target(%dma_start3A_15 : memref<128x128xf32, #tpu.memory_space<vmem>>) offsets(%dma_start3A_18 : memref<128xi32, #tpu.memory_space<vmem>>) semaphore(%arg11 : memref<!tpu.dma_semaphore, #tpu.memory_space<semaphore_mem>>)
    %jit3A_22 = arith.constant 8 : i32
    %div3A = arith.divsi %select_n3A_10, %jit3A_22 : i32
    %sign3A = arith.constant 0 : i32
    %sign3A_23 = arith.cmpi sgt, %select_n3A_10, %sign3A : i32
    %sign3A_24 = arith.extui %sign3A_23 : i1 to i32
    %sign3A_25 = arith.constant 0 : i32
    %sign3A_26 = arith.cmpi slt, %select_n3A_10, %sign3A_25 : i32
    %sign3A_27 = arith.extui %sign3A_26 : i1 to i32
    %sign3A_28 = arith.subi %sign3A_24, %sign3A_27 : i32
    %sign3A_29 = arith.constant 0 : i32
    %sign3A_30 = arith.cmpi sgt, %jit3A_22, %sign3A_29 : i32
    %sign3A_31 = arith.extui %sign3A_30 : i1 to i32
    %sign3A_32 = arith.constant 0 : i32
    %sign3A_33 = arith.cmpi slt, %jit3A_22, %sign3A_32 : i32
    %sign3A_34 = arith.extui %sign3A_33 : i1 to i32
    %sign3A_35 = arith.subi %sign3A_31, %sign3A_34 : i32
    %ne3A = arith.cmpi ne, %sign3A_28, %sign3A_35 : i32
    %rem3A = arith.remsi %select_n3A_10, %jit3A_22 : i32
    %ne3A_36 = arith.constant 0 : i32
    %ne3A_37 = arith.cmpi ne, %rem3A, %ne3A_36 : i32
    %and3A = arith.andi %ne3A, %ne3A_37 : i1
    %sub3A = arith.constant 1 : i32
    %sub3A_38 = arith.subi %div3A, %sub3A : i32
    %select_n3A_39 = arith.select %and3A, %sub3A_38, %div3A : i32
    %while3A = arith.constant 0 : i32
    %while3A_40 = arith.constant 0 : i32
    %while3A_41 = arith.subi %select_n3A_39, %while3A : i32
    %while3A_42 = arith.addi %while3A, %while3A_41 : i32
    %while3A_43 = arith.constant 1 : i32
    %while3A_44 = arith.divsi %while3A_41, %while3A_43 : i32
    %while3A_45 = arith.muli %while3A_44, %while3A_43 : i32
    %while3A_46 = arith.addi %while3A, %while3A_45 : i32
    %while3A_47 = arith.constant 1 : i32
    %while3A_48 = scf.for %while3A_63 = %while3A to %while3A_46 step %while3A_47 iter_args(%while3A_64 = %while3A_40) -> (i32)  : i32 {
      %ge3A = arith.constant 1 : i32
      %ge3A_65 = arith.cmpi sge, %while3A_63, %ge3A : i32
      %convert_element_type3A = arith.extui %ge3A_65 : i1 to i32
      %cond3A = arith.constant 0 : i32
      %cond3A_66 = arith.cmpi ne, %convert_element_type3A, %cond3A : i32
      scf.if %cond3A_66 {
        %dma_wait3A_77 = arith.constant 0 : i32
        %dma_wait3A_78 = arith.constant 0 : i32
        %dma_wait3A_79 = arith.constant 0 : i32
        %dma_wait3A_80 = arith.constant 0 : i32
        %dma_wait3A_81 = tpu.memref_slice %arg9[%dma_wait3A_77, %dma_wait3A_79, %dma_wait3A_80] : memref<2x128x128xf32, #tpu.memory_space<vmem>> -> memref<1x128x128xf32, #tpu.memory_space<vmem>>
        %dma_wait3A_82 = tpu.memref_squeeze %dma_wait3A_81 : memref<1x128x128xf32, #tpu.memory_space<vmem>> -> memref<128x128xf32, #tpu.memory_space<vmem>>
        %dma_wait3A_83 = arith.constant 0 : i32
        %dma_wait3A_84 = tpu.memref_slice %arg8[%dma_wait3A_78, %dma_wait3A_83] : memref<8x128xi32, #tpu.memory_space<vmem>> -> memref<1x128xi32, #tpu.memory_space<vmem>>
        %dma_wait3A_85 = tpu.memref_squeeze %dma_wait3A_84 : memref<1x128xi32, #tpu.memory_space<vmem>> -> memref<128xi32, #tpu.memory_space<vmem>>
        %dma_wait3A_86 = arith.constant 0 : i32
        %dma_wait3A_87 = arith.constant 0 : i32
        %dma_wait3A_88 = tpu.memref_slice %arg10[%dma_wait3A_86, %dma_wait3A_87] : memref<10112x128xf32, #tpu.memory_space<vmem_shared>> -> memref<10112x128xf32, #tpu.memory_space<vmem_shared>>
        tpu.wait_indirect_dma semaphore(%arg12 : memref<!tpu.dma_semaphore, #tpu.memory_space<semaphore_mem>>) src(%dma_wait3A_82 : memref<128x128xf32, #tpu.memory_space<vmem>>) dst(%dma_wait3A_88 : memref<10112x128xf32, #tpu.memory_space<vmem_shared>>)
      } else {
      }
      %mul3A_67 = arith.constant 8 : i32
      %mul3A_68 = arith.muli %while3A_63, %mul3A_67 : i32
      %add3A_69 = arith.addi %select_n3A, %mul3A_68 : i32
      "tpu.region"() ({
        %run_scoped3A = tpu.sem_alloc : memref<!tpu.dma_semaphore, #tpu.memory_space<semaphore_mem>>
        %dma_start3A_77 = arith.constant 0 : i32
        %dma_start3A_78 = tpu.memref_slice %arg4[%add3A_69, %dma_start3A_77] : memref<2656x128xi32, #tpu.memory_space<hbm>> -> memref<8x128xi32, #tpu.memory_space<hbm>>
        %dma_start3A_79 = arith.constant 0 : i32
        %dma_start3A_80 = tpu.memref_slice %arg4[%add3A_69, %dma_start3A_79] : memref<2656x128xi32, #tpu.memory_space<hbm>> -> memref<8x128xi32, #tpu.memory_space<hbm>>
        tpu.enqueue_dma source(%dma_start3A_80 : memref<8x128xi32, #tpu.memory_space<hbm>>) target(%arg8 : memref<8x128xi32, #tpu.memory_space<vmem>>) target_semaphore(%run_scoped3A : memref<!tpu.dma_semaphore, #tpu.memory_space<semaphore_mem>>)
        %dma_wait3A_81 = arith.constant 0 : i32
        %dma_wait3A_82 = tpu.memref_slice %arg4[%add3A_69, %dma_wait3A_81] : memref<2656x128xi32, #tpu.memory_space<hbm>> -> memref<8x128xi32, #tpu.memory_space<hbm>>
        %dma_wait3A_83 = arith.constant 0 : i32
        %dma_wait3A_84 = tpu.memref_slice %arg4[%add3A_69, %dma_wait3A_83] : memref<2656x128xi32, #tpu.memory_space<hbm>> -> memref<8x128xi32, #tpu.memory_space<hbm>>
        tpu.wait_dma2 semaphore(%run_scoped3A : memref<!tpu.dma_semaphore, #tpu.memory_space<semaphore_mem>>) src(%dma_wait3A_84 : memref<8x128xi32, #tpu.memory_space<hbm>>) dst(%arg8 : memref<8x128xi32, #tpu.memory_space<vmem>>)
        tpu.yield
      }) : () -> ()
      %scan3A = arith.constant 0 : i32
      %scan3A_70 = arith.constant 0 : i32
      %scan3A_71 = arith.constant 8 : i32
      %scan3A_72 = arith.addi %scan3A_70, %scan3A_71 : i32
      %scan3A_73 = arith.constant 1 : i32
      %scan3A_74 = scf.for %scan3A_77 = %scan3A_70 to %scan3A_72 step %scan3A_73 iter_args(%scan3A_78 = %scan3A) -> (i32)  : i32 {
        %mul3A_79 = arith.constant 8 : i32
        %mul3A_80 = arith.muli %while3A_63, %mul3A_79 : i32
        %add3A_81 = arith.addi %mul3A_80, %scan3A_77 : i32
        %rem3A_82 = arith.constant 2 : i32
        %rem3A_83 = arith.remsi %add3A_81, %rem3A_82 : i32
        %dma_wait3A_84 = arith.constant 0 : i32
        %dma_wait3A_85 = arith.constant 0 : i32
        %dma_wait3A_86 = tpu.memref_slice %arg9[%rem3A_83, %dma_wait3A_84, %dma_wait3A_85] : memref<2x128x128xf32, #tpu.memory_space<vmem>> -> memref<1x128x128xf32, #tpu.memory_space<vmem>>
        %dma_wait3A_87 = tpu.memref_squeeze %dma_wait3A_86 : memref<1x128x128xf32, #tpu.memory_space<vmem>> -> memref<128x128xf32, #tpu.memory_space<vmem>>
        %dma_wait3A_88 = arith.constant 0 : i32
        %dma_wait3A_89 = tpu.memref_slice %arg7[%add3A_81, %dma_wait3A_88] : memref<128x128xi32, #tpu.memory_space<vmem>> -> memref<1x128xi32, #tpu.memory_space<vmem>>
        %dma_wait3A_90 = tpu.memref_squeeze %dma_wait3A_89 : memref<1x128xi32, #tpu.memory_space<vmem>> -> memref<128xi32, #tpu.memory_space<vmem>>
        %dma_wait3A_91 = arith.constant 0 : i32
        %dma_wait3A_92 = arith.constant 0 : i32
        %dma_wait3A_93 = tpu.memref_slice %arg2[%dma_wait3A_91, %dma_wait3A_92] : memref<10000x128xf32, #tpu.memory_space<hbm>> -> memref<10000x128xf32, #tpu.memory_space<hbm>>
        tpu.wait_indirect_dma semaphore(%arg11 : memref<!tpu.dma_semaphore, #tpu.memory_space<semaphore_mem>>) src(%dma_wait3A_93 : memref<10000x128xf32, #tpu.memory_space<hbm>>) dst(%dma_wait3A_87 : memref<128x128xf32, #tpu.memory_space<vmem>>)
        %ge3A_94 = arith.constant 1 : i32
        %ge3A_95 = arith.cmpi sge, %scan3A_77, %ge3A_94 : i32
        %convert_element_type3A_96 = arith.extui %ge3A_95 : i1 to i32
        %cond3A_97 = arith.constant 0 : i32
        %cond3A_98 = arith.cmpi ne, %convert_element_type3A_96, %cond3A_97 : i32
        scf.if %cond3A_98 {
          %sub3A_115 = arith.constant 1 : i32
          %sub3A_116 = arith.subi %sub3A_115, %rem3A_83 : i32
          %dma_wait3A_117 = arith.constant 0 : i32
          %dma_wait3A_118 = arith.constant 0 : i32
          %dma_wait3A_119 = tpu.memref_slice %arg9[%sub3A_116, %dma_wait3A_117, %dma_wait3A_118] : memref<2x128x128xf32, #tpu.memory_space<vmem>> -> memref<1x128x128xf32, #tpu.memory_space<vmem>>
          %dma_wait3A_120 = tpu.memref_squeeze %dma_wait3A_119 : memref<1x128x128xf32, #tpu.memory_space<vmem>> -> memref<128x128xf32, #tpu.memory_space<vmem>>
          %dma_wait3A_121 = arith.constant 0 : i32
          %dma_wait3A_122 = tpu.memref_slice %arg8[%scan3A_77, %dma_wait3A_121] : memref<8x128xi32, #tpu.memory_space<vmem>> -> memref<1x128xi32, #tpu.memory_space<vmem>>
          %dma_wait3A_123 = tpu.memref_squeeze %dma_wait3A_122 : memref<1x128xi32, #tpu.memory_space<vmem>> -> memref<128xi32, #tpu.memory_space<vmem>>
          %dma_wait3A_124 = arith.constant 0 : i32
          %dma_wait3A_125 = arith.constant 0 : i32
          %dma_wait3A_126 = tpu.memref_slice %arg10[%dma_wait3A_124, %dma_wait3A_125] : memref<10112x128xf32, #tpu.memory_space<vmem_shared>> -> memref<10112x128xf32, #tpu.memory_space<vmem_shared>>
          tpu.wait_indirect_dma semaphore(%arg12 : memref<!tpu.dma_semaphore, #tpu.memory_space<semaphore_mem>>) src(%dma_wait3A_120 : memref<128x128xf32, #tpu.memory_space<vmem>>) dst(%dma_wait3A_126 : memref<10112x128xf32, #tpu.memory_space<vmem_shared>>)
        } else {
        }
        %add3A_99 = arith.constant 1 : i32
        %add3A_100 = arith.addi %add3A_81, %add3A_99 : i32
        %lt3A = arith.cmpi slt, %add3A_100, %select_n3A_10 : i32
        %convert_element_type3A_101 = arith.extui %lt3A : i1 to i32
        %cond3A_102 = arith.constant 0 : i32
        %cond3A_103 = arith.cmpi ne, %convert_element_type3A_101, %cond3A_102 : i32
        scf.if %cond3A_103 {
          %add3A_115 = arith.constant 1 : i32
          %add3A_116 = arith.addi %add3A_81, %add3A_115 : i32
          %sub3A_117 = arith.constant 1 : i32
          %sub3A_118 = arith.subi %sub3A_117, %rem3A_83 : i32
          %dma_start3A_119 = arith.constant 0 : i32
          %dma_start3A_120 = arith.constant 0 : i32
          %dma_start3A_121 = tpu.memref_slice %arg9[%sub3A_118, %dma_start3A_119, %dma_start3A_120] : memref<2x128x128xf32, #tpu.memory_space<vmem>> -> memref<1x128x128xf32, #tpu.memory_space<vmem>>
          %dma_start3A_122 = tpu.memref_squeeze %dma_start3A_121 : memref<1x128x128xf32, #tpu.memory_space<vmem>> -> memref<128x128xf32, #tpu.memory_space<vmem>>
          %dma_start3A_123 = arith.constant 0 : i32
          %dma_start3A_124 = tpu.memref_slice %arg7[%add3A_116, %dma_start3A_123] : memref<128x128xi32, #tpu.memory_space<vmem>> -> memref<1x128xi32, #tpu.memory_space<vmem>>
          %dma_start3A_125 = tpu.memref_squeeze %dma_start3A_124 : memref<1x128xi32, #tpu.memory_space<vmem>> -> memref<128xi32, #tpu.memory_space<vmem>>
          %dma_start3A_126 = arith.constant 0 : i32
          %dma_start3A_127 = arith.constant 0 : i32
          %dma_start3A_128 = tpu.memref_slice %arg2[%dma_start3A_126, %dma_start3A_127] : memref<10000x128xf32, #tpu.memory_space<hbm>> -> memref<10000x128xf32, #tpu.memory_space<hbm>>
          tpu.enqueue_indirect_dma source(%dma_start3A_128 : memref<10000x128xf32, #tpu.memory_space<hbm>>) target(%dma_start3A_122 : memref<128x128xf32, #tpu.memory_space<vmem>>) offsets(%dma_start3A_125 : memref<128xi32, #tpu.memory_space<vmem>>) semaphore(%arg11 : memref<!tpu.dma_semaphore, #tpu.memory_space<semaphore_mem>>)
        } else {
        }
        %dma_start3A_104 = arith.constant 0 : i32
        %dma_start3A_105 = arith.constant 0 : i32
        %dma_start3A_106 = tpu.memref_slice %arg9[%rem3A_83, %dma_start3A_104, %dma_start3A_105] : memref<2x128x128xf32, #tpu.memory_space<vmem>> -> memref<1x128x128xf32, #tpu.memory_space<vmem>>
        %dma_start3A_107 = tpu.memref_squeeze %dma_start3A_106 : memref<1x128x128xf32, #tpu.memory_space<vmem>> -> memref<128x128xf32, #tpu.memory_space<vmem>>
        %dma_start3A_108 = arith.constant 0 : i32
        %dma_start3A_109 = tpu.memref_slice %arg8[%scan3A_77, %dma_start3A_108] : memref<8x128xi32, #tpu.memory_space<vmem>> -> memref<1x128xi32, #tpu.memory_space<vmem>>
        %dma_start3A_110 = tpu.memref_squeeze %dma_start3A_109 : memref<1x128xi32, #tpu.memory_space<vmem>> -> memref<128xi32, #tpu.memory_space<vmem>>
        %dma_start3A_111 = arith.constant 0 : i32
        %dma_start3A_112 = arith.constant 0 : i32
        %dma_start3A_113 = tpu.memref_slice %arg10[%dma_start3A_111, %dma_start3A_112] : memref<10112x128xf32, #tpu.memory_space<vmem_shared>> -> memref<10112x128xf32, #tpu.memory_space<vmem_shared>>
        tpu.enqueue_indirect_dma source(%dma_start3A_107 : memref<128x128xf32, #tpu.memory_space<vmem>>) target(%dma_start3A_113 : memref<10112x128xf32, #tpu.memory_space<vmem_shared>>) offsets(%dma_start3A_110 : memref<128xi32, #tpu.memory_space<vmem>>) semaphore(%arg12 : memref<!tpu.dma_semaphore, #tpu.memory_space<semaphore_mem>>) {add = true}
        %scan3A_114 = arith.constant 0 : i32
        scf.yield %scan3A_114 : i32
      }
      %scan3A_75 = arith.constant 8 : i32
      %while3A_76 = arith.constant 0 : i32
      scf.yield %while3A_76 : i32
    }
    %while3A_49 = arith.constant 1 : i32
    %while3A_50 = scf.for %while3A_63 = %while3A_46 to %while3A_42 step %while3A_49 iter_args(%while3A_64 = %while3A_48) -> (i32)  : i32 {
      %ge3A = arith.constant 1 : i32
      %ge3A_65 = arith.cmpi sge, %while3A_63, %ge3A : i32
      %convert_element_type3A = arith.extui %ge3A_65 : i1 to i32
      %cond3A = arith.constant 0 : i32
      %cond3A_66 = arith.cmpi ne, %convert_element_type3A, %cond3A : i32
      scf.if %cond3A_66 {
        %dma_wait3A_77 = arith.constant 0 : i32
        %dma_wait3A_78 = arith.constant 0 : i32
        %dma_wait3A_79 = arith.constant 0 : i32
        %dma_wait3A_80 = arith.constant 0 : i32
        %dma_wait3A_81 = tpu.memref_slice %arg9[%dma_wait3A_77, %dma_wait3A_79, %dma_wait3A_80] : memref<2x128x128xf32, #tpu.memory_space<vmem>> -> memref<1x128x128xf32, #tpu.memory_space<vmem>>
        %dma_wait3A_82 = tpu.memref_squeeze %dma_wait3A_81 : memref<1x128x128xf32, #tpu.memory_space<vmem>> -> memref<128x128xf32, #tpu.memory_space<vmem>>
        %dma_wait3A_83 = arith.constant 0 : i32
        %dma_wait3A_84 = tpu.memref_slice %arg8[%dma_wait3A_78, %dma_wait3A_83] : memref<8x128xi32, #tpu.memory_space<vmem>> -> memref<1x128xi32, #tpu.memory_space<vmem>>
        %dma_wait3A_85 = tpu.memref_squeeze %dma_wait3A_84 : memref<1x128xi32, #tpu.memory_space<vmem>> -> memref<128xi32, #tpu.memory_space<vmem>>
        %dma_wait3A_86 = arith.constant 0 : i32
        %dma_wait3A_87 = arith.constant 0 : i32
        %dma_wait3A_88 = tpu.memref_slice %arg10[%dma_wait3A_86, %dma_wait3A_87] : memref<10112x128xf32, #tpu.memory_space<vmem_shared>> -> memref<10112x128xf32, #tpu.memory_space<vmem_shared>>
        tpu.wait_indirect_dma semaphore(%arg12 : memref<!tpu.dma_semaphore, #tpu.memory_space<semaphore_mem>>) src(%dma_wait3A_82 : memref<128x128xf32, #tpu.memory_space<vmem>>) dst(%dma_wait3A_88 : memref<10112x128xf32, #tpu.memory_space<vmem_shared>>)
      } else {
      }
      %mul3A_67 = arith.constant 8 : i32
      %mul3A_68 = arith.muli %while3A_63, %mul3A_67 : i32
      %add3A_69 = arith.addi %select_n3A, %mul3A_68 : i32
      "tpu.region"() ({
        %run_scoped3A = tpu.sem_alloc : memref<!tpu.dma_semaphore, #tpu.memory_space<semaphore_mem>>
        %dma_start3A_77 = arith.constant 0 : i32
        %dma_start3A_78 = tpu.memref_slice %arg4[%add3A_69, %dma_start3A_77] : memref<2656x128xi32, #tpu.memory_space<hbm>> -> memref<8x128xi32, #tpu.memory_space<hbm>>
        %dma_start3A_79 = arith.constant 0 : i32
        %dma_start3A_80 = tpu.memref_slice %arg4[%add3A_69, %dma_start3A_79] : memref<2656x128xi32, #tpu.memory_space<hbm>> -> memref<8x128xi32, #tpu.memory_space<hbm>>
        tpu.enqueue_dma source(%dma_start3A_80 : memref<8x128xi32, #tpu.memory_space<hbm>>) target(%arg8 : memref<8x128xi32, #tpu.memory_space<vmem>>) target_semaphore(%run_scoped3A : memref<!tpu.dma_semaphore, #tpu.memory_space<semaphore_mem>>)
        %dma_wait3A_81 = arith.constant 0 : i32
        %dma_wait3A_82 = tpu.memref_slice %arg4[%add3A_69, %dma_wait3A_81] : memref<2656x128xi32, #tpu.memory_space<hbm>> -> memref<8x128xi32, #tpu.memory_space<hbm>>
        %dma_wait3A_83 = arith.constant 0 : i32
        %dma_wait3A_84 = tpu.memref_slice %arg4[%add3A_69, %dma_wait3A_83] : memref<2656x128xi32, #tpu.memory_space<hbm>> -> memref<8x128xi32, #tpu.memory_space<hbm>>
        tpu.wait_dma2 semaphore(%run_scoped3A : memref<!tpu.dma_semaphore, #tpu.memory_space<semaphore_mem>>) src(%dma_wait3A_84 : memref<8x128xi32, #tpu.memory_space<hbm>>) dst(%arg8 : memref<8x128xi32, #tpu.memory_space<vmem>>)
        tpu.yield
      }) : () -> ()
      %scan3A = arith.constant 0 : i32
      %scan3A_70 = arith.constant 0 : i32
      %scan3A_71 = arith.constant 8 : i32
      %scan3A_72 = arith.addi %scan3A_70, %scan3A_71 : i32
      %scan3A_73 = arith.constant 1 : i32
      %scan3A_74 = scf.for %scan3A_77 = %scan3A_70 to %scan3A_72 step %scan3A_73 iter_args(%scan3A_78 = %scan3A) -> (i32)  : i32 {
        %mul3A_79 = arith.constant 8 : i32
        %mul3A_80 = arith.muli %while3A_63, %mul3A_79 : i32
        %add3A_81 = arith.addi %mul3A_80, %scan3A_77 : i32
        %rem3A_82 = arith.constant 2 : i32
        %rem3A_83 = arith.remsi %add3A_81, %rem3A_82 : i32
        %dma_wait3A_84 = arith.constant 0 : i32
        %dma_wait3A_85 = arith.constant 0 : i32
        %dma_wait3A_86 = tpu.memref_slice %arg9[%rem3A_83, %dma_wait3A_84, %dma_wait3A_85] : memref<2x128x128xf32, #tpu.memory_space<vmem>> -> memref<1x128x128xf32, #tpu.memory_space<vmem>>
        %dma_wait3A_87 = tpu.memref_squeeze %dma_wait3A_86 : memref<1x128x128xf32, #tpu.memory_space<vmem>> -> memref<128x128xf32, #tpu.memory_space<vmem>>
        %dma_wait3A_88 = arith.constant 0 : i32
        %dma_wait3A_89 = tpu.memref_slice %arg7[%add3A_81, %dma_wait3A_88] : memref<128x128xi32, #tpu.memory_space<vmem>> -> memref<1x128xi32, #tpu.memory_space<vmem>>
        %dma_wait3A_90 = tpu.memref_squeeze %dma_wait3A_89 : memref<1x128xi32, #tpu.memory_space<vmem>> -> memref<128xi32, #tpu.memory_space<vmem>>
        %dma_wait3A_91 = arith.constant 0 : i32
        %dma_wait3A_92 = arith.constant 0 : i32
        %dma_wait3A_93 = tpu.memref_slice %arg2[%dma_wait3A_91, %dma_wait3A_92] : memref<10000x128xf32, #tpu.memory_space<hbm>> -> memref<10000x128xf32, #tpu.memory_space<hbm>>
        tpu.wait_indirect_dma semaphore(%arg11 : memref<!tpu.dma_semaphore, #tpu.memory_space<semaphore_mem>>) src(%dma_wait3A_93 : memref<10000x128xf32, #tpu.memory_space<hbm>>) dst(%dma_wait3A_87 : memref<128x128xf32, #tpu.memory_space<vmem>>)
        %ge3A_94 = arith.constant 1 : i32
        %ge3A_95 = arith.cmpi sge, %scan3A_77, %ge3A_94 : i32
        %convert_element_type3A_96 = arith.extui %ge3A_95 : i1 to i32
        %cond3A_97 = arith.constant 0 : i32
        %cond3A_98 = arith.cmpi ne, %convert_element_type3A_96, %cond3A_97 : i32
        scf.if %cond3A_98 {
          %sub3A_115 = arith.constant 1 : i32
          %sub3A_116 = arith.subi %sub3A_115, %rem3A_83 : i32
          %dma_wait3A_117 = arith.constant 0 : i32
          %dma_wait3A_118 = arith.constant 0 : i32
          %dma_wait3A_119 = tpu.memref_slice %arg9[%sub3A_116, %dma_wait3A_117, %dma_wait3A_118] : memref<2x128x128xf32, #tpu.memory_space<vmem>> -> memref<1x128x128xf32, #tpu.memory_space<vmem>>
          %dma_wait3A_120 = tpu.memref_squeeze %dma_wait3A_119 : memref<1x128x128xf32, #tpu.memory_space<vmem>> -> memref<128x128xf32, #tpu.memory_space<vmem>>
          %dma_wait3A_121 = arith.constant 0 : i32
          %dma_wait3A_122 = tpu.memref_slice %arg8[%scan3A_77, %dma_wait3A_121] : memref<8x128xi32, #tpu.memory_space<vmem>> -> memref<1x128xi32, #tpu.memory_space<vmem>>
          %dma_wait3A_123 = tpu.memref_squeeze %dma_wait3A_122 : memref<1x128xi32, #tpu.memory_space<vmem>> -> memref<128xi32, #tpu.memory_space<vmem>>
          %dma_wait3A_124 = arith.constant 0 : i32
          %dma_wait3A_125 = arith.constant 0 : i32
          %dma_wait3A_126 = tpu.memref_slice %arg10[%dma_wait3A_124, %dma_wait3A_125] : memref<10112x128xf32, #tpu.memory_space<vmem_shared>> -> memref<10112x128xf32, #tpu.memory_space<vmem_shared>>
          tpu.wait_indirect_dma semaphore(%arg12 : memref<!tpu.dma_semaphore, #tpu.memory_space<semaphore_mem>>) src(%dma_wait3A_120 : memref<128x128xf32, #tpu.memory_space<vmem>>) dst(%dma_wait3A_126 : memref<10112x128xf32, #tpu.memory_space<vmem_shared>>)
        } else {
        }
        %add3A_99 = arith.constant 1 : i32
        %add3A_100 = arith.addi %add3A_81, %add3A_99 : i32
        %lt3A = arith.cmpi slt, %add3A_100, %select_n3A_10 : i32
        %convert_element_type3A_101 = arith.extui %lt3A : i1 to i32
        %cond3A_102 = arith.constant 0 : i32
        %cond3A_103 = arith.cmpi ne, %convert_element_type3A_101, %cond3A_102 : i32
        scf.if %cond3A_103 {
          %add3A_115 = arith.constant 1 : i32
          %add3A_116 = arith.addi %add3A_81, %add3A_115 : i32
          %sub3A_117 = arith.constant 1 : i32
          %sub3A_118 = arith.subi %sub3A_117, %rem3A_83 : i32
          %dma_start3A_119 = arith.constant 0 : i32
          %dma_start3A_120 = arith.constant 0 : i32
          %dma_start3A_121 = tpu.memref_slice %arg9[%sub3A_118, %dma_start3A_119, %dma_start3A_120] : memref<2x128x128xf32, #tpu.memory_space<vmem>> -> memref<1x128x128xf32, #tpu.memory_space<vmem>>
          %dma_start3A_122 = tpu.memref_squeeze %dma_start3A_121 : memref<1x128x128xf32, #tpu.memory_space<vmem>> -> memref<128x128xf32, #tpu.memory_space<vmem>>
          %dma_start3A_123 = arith.constant 0 : i32
          %dma_start3A_124 = tpu.memref_slice %arg7[%add3A_116, %dma_start3A_123] : memref<128x128xi32, #tpu.memory_space<vmem>> -> memref<1x128xi32, #tpu.memory_space<vmem>>
          %dma_start3A_125 = tpu.memref_squeeze %dma_start3A_124 : memref<1x128xi32, #tpu.memory_space<vmem>> -> memref<128xi32, #tpu.memory_space<vmem>>
          %dma_start3A_126 = arith.constant 0 : i32
          %dma_start3A_127 = arith.constant 0 : i32
          %dma_start3A_128 = tpu.memref_slice %arg2[%dma_start3A_126, %dma_start3A_127] : memref<10000x128xf32, #tpu.memory_space<hbm>> -> memref<10000x128xf32, #tpu.memory_space<hbm>>
          tpu.enqueue_indirect_dma source(%dma_start3A_128 : memref<10000x128xf32, #tpu.memory_space<hbm>>) target(%dma_start3A_122 : memref<128x128xf32, #tpu.memory_space<vmem>>) offsets(%dma_start3A_125 : memref<128xi32, #tpu.memory_space<vmem>>) semaphore(%arg11 : memref<!tpu.dma_semaphore, #tpu.memory_space<semaphore_mem>>)
        } else {
        }
        %dma_start3A_104 = arith.constant 0 : i32
        %dma_start3A_105 = arith.constant 0 : i32
        %dma_start3A_106 = tpu.memref_slice %arg9[%rem3A_83, %dma_start3A_104, %dma_start3A_105] : memref<2x128x128xf32, #tpu.memory_space<vmem>> -> memref<1x128x128xf32, #tpu.memory_space<vmem>>
        %dma_start3A_107 = tpu.memref_squeeze %dma_start3A_106 : memref<1x128x128xf32, #tpu.memory_space<vmem>> -> memref<128x128xf32, #tpu.memory_space<vmem>>
        %dma_start3A_108 = arith.constant 0 : i32
        %dma_start3A_109 = tpu.memref_slice %arg8[%scan3A_77, %dma_start3A_108] : memref<8x128xi32, #tpu.memory_space<vmem>> -> memref<1x128xi32, #tpu.memory_space<vmem>>
        %dma_start3A_110 = tpu.memref_squeeze %dma_start3A_109 : memref<1x128xi32, #tpu.memory_space<vmem>> -> memref<128xi32, #tpu.memory_space<vmem>>
        %dma_start3A_111 = arith.constant 0 : i32
        %dma_start3A_112 = arith.constant 0 : i32
        %dma_start3A_113 = tpu.memref_slice %arg10[%dma_start3A_111, %dma_start3A_112] : memref<10112x128xf32, #tpu.memory_space<vmem_shared>> -> memref<10112x128xf32, #tpu.memory_space<vmem_shared>>
        tpu.enqueue_indirect_dma source(%dma_start3A_107 : memref<128x128xf32, #tpu.memory_space<vmem>>) target(%dma_start3A_113 : memref<10112x128xf32, #tpu.memory_space<vmem_shared>>) offsets(%dma_start3A_110 : memref<128xi32, #tpu.memory_space<vmem>>) semaphore(%arg12 : memref<!tpu.dma_semaphore, #tpu.memory_space<semaphore_mem>>) {add = true}
        %scan3A_114 = arith.constant 0 : i32
        scf.yield %scan3A_114 : i32
      }
      %scan3A_75 = arith.constant 8 : i32
      %while3A_76 = arith.constant 0 : i32
      scf.yield %while3A_76 : i32
    }
    %dma_wait3A = arith.constant 0 : i32
    %dma_wait3A_51 = arith.constant 0 : i32
    %dma_wait3A_52 = arith.constant 0 : i32
    %dma_wait3A_53 = arith.constant 0 : i32
    %dma_wait3A_54 = tpu.memref_slice %arg9[%dma_wait3A, %dma_wait3A_52, %dma_wait3A_53] : memref<2x128x128xf32, #tpu.memory_space<vmem>> -> memref<1x128x128xf32, #tpu.memory_space<vmem>>
    %dma_wait3A_55 = tpu.memref_squeeze %dma_wait3A_54 : memref<1x128x128xf32, #tpu.memory_space<vmem>> -> memref<128x128xf32, #tpu.memory_space<vmem>>
    %dma_wait3A_56 = arith.constant 0 : i32
    %dma_wait3A_57 = tpu.memref_slice %arg8[%dma_wait3A_51, %dma_wait3A_56] : memref<8x128xi32, #tpu.memory_space<vmem>> -> memref<1x128xi32, #tpu.memory_space<vmem>>
    %dma_wait3A_58 = tpu.memref_squeeze %dma_wait3A_57 : memref<1x128xi32, #tpu.memory_space<vmem>> -> memref<128xi32, #tpu.memory_space<vmem>>
    %dma_wait3A_59 = arith.constant 0 : i32
    %dma_wait3A_60 = arith.constant 0 : i32
    %dma_wait3A_61 = tpu.memref_slice %arg10[%dma_wait3A_59, %dma_wait3A_60] : memref<10112x128xf32, #tpu.memory_space<vmem_shared>> -> memref<10112x128xf32, #tpu.memory_space<vmem_shared>>
    tpu.wait_indirect_dma semaphore(%arg12 : memref<!tpu.dma_semaphore, #tpu.memory_space<semaphore_mem>>) src(%dma_wait3A_55 : memref<128x128xf32, #tpu.memory_space<vmem>>) dst(%dma_wait3A_61 : memref<10112x128xf32, #tpu.memory_space<vmem_shared>>)
    %barrier3A_62 = arith.constant 0 : index
    tpu.barrier barrier_id(%barrier3A_62)
    "tpu.region"() ({
      %run_scoped3A = tpu.sem_alloc : memref<!tpu.dma_semaphore, #tpu.memory_space<semaphore_mem>>
      %dma_start3A_63 = arith.constant 0 : i32
      %dma_start3A_64 = tpu.memref_slice %arg6[%arg0, %mul3A_0, %dma_start3A_63] : memref<2x10112x128xf32, #tpu.memory_space<hbm>> -> memref<1x632x128xf32, #tpu.memory_space<hbm>>
      %dma_start3A_65 = tpu.memref_squeeze %dma_start3A_64 : memref<1x632x128xf32, #tpu.memory_space<hbm>> -> memref<632x128xf32, #tpu.memory_space<hbm>>
      %dma_start3A_66 = arith.constant 0 : i32
      %dma_start3A_67 = tpu.memref_slice %arg10[%mul3A_0, %dma_start3A_66] : memref<10112x128xf32, #tpu.memory_space<vmem_shared>> -> memref<632x128xf32, #tpu.memory_space<vmem_shared>>
      tpu.enqueue_dma source(%dma_start3A_67 : memref<632x128xf32, #tpu.memory_space<vmem_shared>>) target(%dma_start3A_65 : memref<632x128xf32, #tpu.memory_space<hbm>>) target_semaphore(%run_scoped3A : memref<!tpu.dma_semaphore, #tpu.memory_space<semaphore_mem>>)
      %dma_wait3A_68 = arith.constant 0 : i32
      %dma_wait3A_69 = tpu.memref_slice %arg6[%arg0, %mul3A_0, %dma_wait3A_68] : memref<2x10112x128xf32, #tpu.memory_space<hbm>> -> memref<1x632x128xf32, #tpu.memory_space<hbm>>
      %dma_wait3A_70 = tpu.memref_squeeze %dma_wait3A_69 : memref<1x632x128xf32, #tpu.memory_space<hbm>> -> memref<632x128xf32, #tpu.memory_space<hbm>>
      %dma_wait3A_71 = arith.constant 0 : i32
      %dma_wait3A_72 = tpu.memref_slice %arg10[%mul3A_0, %dma_wait3A_71] : memref<10112x128xf32, #tpu.memory_space<vmem_shared>> -> memref<632x128xf32, #tpu.memory_space<vmem_shared>>
      tpu.wait_dma2 semaphore(%run_scoped3A : memref<!tpu.dma_semaphore, #tpu.memory_space<semaphore_mem>>) src(%dma_wait3A_72 : memref<632x128xf32, #tpu.memory_space<vmem_shared>>) dst(%dma_wait3A_70 : memref<632x128xf32, #tpu.memory_space<hbm>>)
      tpu.yield
    }) : () -> ()
    return
  }
}

#map = affine_map<(d0, d1) -> (0, 0)>
#map1 = affine_map<(d0, d1) -> (0, 0, 0)>
module attributes {stable_mosaic.version = 14 : i64} {
  func.func @_sc_aggregate(%arg0: i32, %arg1: i32, %arg2: memref<10000x128xf32, #tpu.memory_space<hbm>>, %arg3: memref<2656x128xi32, #tpu.memory_space<hbm>>, %arg4: memref<2656x128xi32, #tpu.memory_space<hbm>>, %arg5: memref<10112x128xf32, #tpu.memory_space<hbm>>, %arg6: memref<2x10112x128xf32, #tpu.memory_space<hbm>>, %arg7: memref<128x128xi32, #tpu.memory_space<vmem>>, %arg8: memref<8x128xi32, #tpu.memory_space<vmem>>, %arg9: memref<2x128x128xf32, #tpu.memory_space<vmem>>, %arg10: memref<10112x128xf32, #tpu.memory_space<vmem_shared>>, %arg11: memref<!tpu.dma_semaphore, #tpu.memory_space<semaphore_mem>>, %arg12: memref<!tpu.dma_semaphore, #tpu.memory_space<semaphore_mem>>) attributes {dimension_semantics = [#tpu.dimension_semantics<core_parallel>, #tpu.dimension_semantics<subcore_parallel>], iteration_bounds = array<i64: 2, 16>, scalar_prefetch = 0 : i64, scratch_operands = 6 : i64, tpu.core_type = #tpu.core_type<sc_vector_subcore>, window_params = [{transform_indices = #map}, {transform_indices = #map}, {transform_indices = #map}, {transform_indices = #map}, {transform_indices = #map1}]} {
    %mul3A = arith.constant 632 : i32
    %mul3A_0 = arith.muli %arg1, %mul3A : i32
    %eq3A = arith.constant 0 : i32
    %eq3A_1 = arith.cmpi eq, %arg0, %eq3A : i32
    %mul3A_2 = arith.constant 128 : i32
    %mul3A_3 = arith.muli %arg1, %mul3A_2 : i32
    %mul3A_4 = arith.constant 32 : i32
    %mul3A_5 = arith.muli %arg1, %mul3A_4 : i32
    %add3A = arith.constant 2048 : i32
    %add3A_6 = arith.addi %add3A, %mul3A_5 : i32
    %select_n3A = arith.select %eq3A_1, %mul3A_3, %add3A_6 : i32
    %eq3A_7 = arith.constant 0 : i32
    %eq3A_8 = arith.cmpi eq, %arg0, %eq3A_7 : i32
    %jit3A = arith.constant 128 : i32
    %jit3A_9 = arith.constant 32 : i32
    %select_n3A_10 = arith.select %eq3A_8, %jit3A, %jit3A_9 : i32
    "tpu.region"() ({
      %run_scoped3A = tpu.sem_alloc : memref<!tpu.dma_semaphore, #tpu.memory_space<semaphore_mem>>
      %dma_start3A_63 = arith.constant 0 : i32
      %dma_start3A_64 = tpu.memref_slice %arg10[%mul3A_0, %dma_start3A_63] : memref<10112x128xf32, #tpu.memory_space<vmem_shared>> -> memref<632x128xf32, #tpu.memory_space<vmem_shared>>
      %dma_start3A_65 = arith.constant 0 : i32
      %dma_start3A_66 = tpu.memref_slice %arg5[%mul3A_0, %dma_start3A_65] : memref<10112x128xf32, #tpu.memory_space<hbm>> -> memref<632x128xf32, #tpu.memory_space<hbm>>
      tpu.enqueue_dma source(%dma_start3A_66 : memref<632x128xf32, #tpu.memory_space<hbm>>) target(%dma_start3A_64 : memref<632x128xf32, #tpu.memory_space<vmem_shared>>) target_semaphore(%run_scoped3A : memref<!tpu.dma_semaphore, #tpu.memory_space<semaphore_mem>>)
      %dma_wait3A_67 = arith.constant 0 : i32
      %dma_wait3A_68 = tpu.memref_slice %arg10[%mul3A_0, %dma_wait3A_67] : memref<10112x128xf32, #tpu.memory_space<vmem_shared>> -> memref<632x128xf32, #tpu.memory_space<vmem_shared>>
      %dma_wait3A_69 = arith.constant 0 : i32
      %dma_wait3A_70 = tpu.memref_slice %arg5[%mul3A_0, %dma_wait3A_69] : memref<10112x128xf32, #tpu.memory_space<hbm>> -> memref<632x128xf32, #tpu.memory_space<hbm>>
      tpu.wait_dma2 semaphore(%run_scoped3A : memref<!tpu.dma_semaphore, #tpu.memory_space<semaphore_mem>>) src(%dma_wait3A_70 : memref<632x128xf32, #tpu.memory_space<hbm>>) dst(%dma_wait3A_68 : memref<632x128xf32, #tpu.memory_space<vmem_shared>>)
      tpu.yield
    }) : () -> ()
    "tpu.region"() ({
      %run_scoped3A = tpu.sem_alloc : memref<!tpu.dma_semaphore, #tpu.memory_space<semaphore_mem>>
      %dma_start3A_63 = arith.constant 0 : i32
      %dma_start3A_64 = tpu.memref_slice %arg3[%select_n3A, %dma_start3A_63] : memref<2656x128xi32, #tpu.memory_space<hbm>> -> memref<128x128xi32, #tpu.memory_space<hbm>>
      %dma_start3A_65 = arith.constant 0 : i32
      %dma_start3A_66 = tpu.memref_slice %arg3[%select_n3A, %dma_start3A_65] : memref<2656x128xi32, #tpu.memory_space<hbm>> -> memref<128x128xi32, #tpu.memory_space<hbm>>
      tpu.enqueue_dma source(%dma_start3A_66 : memref<128x128xi32, #tpu.memory_space<hbm>>) target(%arg7 : memref<128x128xi32, #tpu.memory_space<vmem>>) target_semaphore(%run_scoped3A : memref<!tpu.dma_semaphore, #tpu.memory_space<semaphore_mem>>)
      %dma_wait3A_67 = arith.constant 0 : i32
      %dma_wait3A_68 = tpu.memref_slice %arg3[%select_n3A, %dma_wait3A_67] : memref<2656x128xi32, #tpu.memory_space<hbm>> -> memref<128x128xi32, #tpu.memory_space<hbm>>
      %dma_wait3A_69 = arith.constant 0 : i32
      %dma_wait3A_70 = tpu.memref_slice %arg3[%select_n3A, %dma_wait3A_69] : memref<2656x128xi32, #tpu.memory_space<hbm>> -> memref<128x128xi32, #tpu.memory_space<hbm>>
      tpu.wait_dma2 semaphore(%run_scoped3A : memref<!tpu.dma_semaphore, #tpu.memory_space<semaphore_mem>>) src(%dma_wait3A_70 : memref<128x128xi32, #tpu.memory_space<hbm>>) dst(%arg7 : memref<128x128xi32, #tpu.memory_space<vmem>>)
      tpu.yield
    }) : () -> ()
    %barrier3A = arith.constant 0 : index
    tpu.barrier barrier_id(%barrier3A)
    %dma_start3A = arith.constant 0 : i32
    %dma_start3A_11 = arith.constant 0 : i32
    %dma_start3A_12 = arith.constant 0 : i32
    %dma_start3A_13 = arith.constant 0 : i32
    %dma_start3A_14 = tpu.memref_slice %arg9[%dma_start3A_11, %dma_start3A_12, %dma_start3A_13] : memref<2x128x128xf32, #tpu.memory_space<vmem>> -> memref<1x128x128xf32, #tpu.memory_space<vmem>>
    %dma_start3A_15 = tpu.memref_squeeze %dma_start3A_14 : memref<1x128x128xf32, #tpu.memory_space<vmem>> -> memref<128x128xf32, #tpu.memory_space<vmem>>
    %dma_start3A_16 = arith.constant 0 : i32
    %dma_start3A_17 = tpu.memref_slice %arg7[%dma_start3A, %dma_start3A_16] : memref<128x128xi32, #tpu.memory_space<vmem>> -> memref<1x128xi32, #tpu.memory_space<vmem>>
    %dma_start3A_18 = tpu.memref_squeeze %dma_start3A_17 : memref<1x128xi32, #tpu.memory_space<vmem>> -> memref<128xi32, #tpu.memory_space<vmem>>
    %dma_start3A_19 = arith.constant 0 : i32
    %dma_start3A_20 = arith.constant 0 : i32
    %dma_start3A_21 = tpu.memref_slice %arg2[%dma_start3A_19, %dma_start3A_20] : memref<10000x128xf32, #tpu.memory_space<hbm>> -> memref<10000x128xf32, #tpu.memory_space<hbm>>
    tpu.enqueue_indirect_dma source(%dma_start3A_21 : memref<10000x128xf32, #tpu.memory_space<hbm>>) target(%dma_start3A_15 : memref<128x128xf32, #tpu.memory_space<vmem>>) offsets(%dma_start3A_18 : memref<128xi32, #tpu.memory_space<vmem>>) semaphore(%arg11 : memref<!tpu.dma_semaphore, #tpu.memory_space<semaphore_mem>>)
    %jit3A_22 = arith.constant 8 : i32
    %div3A = arith.divsi %select_n3A_10, %jit3A_22 : i32
    %sign3A = arith.constant 0 : i32
    %sign3A_23 = arith.cmpi sgt, %select_n3A_10, %sign3A : i32
    %sign3A_24 = arith.extui %sign3A_23 : i1 to i32
    %sign3A_25 = arith.constant 0 : i32
    %sign3A_26 = arith.cmpi slt, %select_n3A_10, %sign3A_25 : i32
    %sign3A_27 = arith.extui %sign3A_26 : i1 to i32
    %sign3A_28 = arith.subi %sign3A_24, %sign3A_27 : i32
    %sign3A_29 = arith.constant 0 : i32
    %sign3A_30 = arith.cmpi sgt, %jit3A_22, %sign3A_29 : i32
    %sign3A_31 = arith.extui %sign3A_30 : i1 to i32
    %sign3A_32 = arith.constant 0 : i32
    %sign3A_33 = arith.cmpi slt, %jit3A_22, %sign3A_32 : i32
    %sign3A_34 = arith.extui %sign3A_33 : i1 to i32
    %sign3A_35 = arith.subi %sign3A_31, %sign3A_34 : i32
    %ne3A = arith.cmpi ne, %sign3A_28, %sign3A_35 : i32
    %rem3A = arith.remsi %select_n3A_10, %jit3A_22 : i32
    %ne3A_36 = arith.constant 0 : i32
    %ne3A_37 = arith.cmpi ne, %rem3A, %ne3A_36 : i32
    %and3A = arith.andi %ne3A, %ne3A_37 : i1
    %sub3A = arith.constant 1 : i32
    %sub3A_38 = arith.subi %div3A, %sub3A : i32
    %select_n3A_39 = arith.select %and3A, %sub3A_38, %div3A : i32
    %while3A = arith.constant 0 : i32
    %while3A_40 = arith.constant 0 : i32
    %while3A_41 = arith.subi %select_n3A_39, %while3A : i32
    %while3A_42 = arith.addi %while3A, %while3A_41 : i32
    %while3A_43 = arith.constant 1 : i32
    %while3A_44 = arith.divsi %while3A_41, %while3A_43 : i32
    %while3A_45 = arith.muli %while3A_44, %while3A_43 : i32
    %while3A_46 = arith.addi %while3A, %while3A_45 : i32
    %while3A_47 = arith.constant 1 : i32
    %while3A_48 = scf.for %while3A_63 = %while3A to %while3A_46 step %while3A_47 iter_args(%while3A_64 = %while3A_40) -> (i32)  : i32 {
      %ge3A = arith.constant 1 : i32
      %ge3A_65 = arith.cmpi sge, %while3A_63, %ge3A : i32
      %convert_element_type3A = arith.extui %ge3A_65 : i1 to i32
      %cond3A = arith.constant 0 : i32
      %cond3A_66 = arith.cmpi ne, %convert_element_type3A, %cond3A : i32
      scf.if %cond3A_66 {
        %dma_wait3A_77 = arith.constant 0 : i32
        %dma_wait3A_78 = arith.constant 0 : i32
        %dma_wait3A_79 = arith.constant 0 : i32
        %dma_wait3A_80 = arith.constant 0 : i32
        %dma_wait3A_81 = tpu.memref_slice %arg9[%dma_wait3A_77, %dma_wait3A_79, %dma_wait3A_80] : memref<2x128x128xf32, #tpu.memory_space<vmem>> -> memref<1x128x128xf32, #tpu.memory_space<vmem>>
        %dma_wait3A_82 = tpu.memref_squeeze %dma_wait3A_81 : memref<1x128x128xf32, #tpu.memory_space<vmem>> -> memref<128x128xf32, #tpu.memory_space<vmem>>
        %dma_wait3A_83 = arith.constant 0 : i32
        %dma_wait3A_84 = tpu.memref_slice %arg8[%dma_wait3A_78, %dma_wait3A_83] : memref<8x128xi32, #tpu.memory_space<vmem>> -> memref<1x128xi32, #tpu.memory_space<vmem>>
        %dma_wait3A_85 = tpu.memref_squeeze %dma_wait3A_84 : memref<1x128xi32, #tpu.memory_space<vmem>> -> memref<128xi32, #tpu.memory_space<vmem>>
        %dma_wait3A_86 = arith.constant 0 : i32
        %dma_wait3A_87 = arith.constant 0 : i32
        %dma_wait3A_88 = tpu.memref_slice %arg10[%dma_wait3A_86, %dma_wait3A_87] : memref<10112x128xf32, #tpu.memory_space<vmem_shared>> -> memref<10112x128xf32, #tpu.memory_space<vmem_shared>>
        tpu.wait_indirect_dma semaphore(%arg12 : memref<!tpu.dma_semaphore, #tpu.memory_space<semaphore_mem>>) src(%dma_wait3A_82 : memref<128x128xf32, #tpu.memory_space<vmem>>) dst(%dma_wait3A_88 : memref<10112x128xf32, #tpu.memory_space<vmem_shared>>)
      } else {
      }
      %mul3A_67 = arith.constant 8 : i32
      %mul3A_68 = arith.muli %while3A_63, %mul3A_67 : i32
      %add3A_69 = arith.addi %select_n3A, %mul3A_68 : i32
      "tpu.region"() ({
        %run_scoped3A = tpu.sem_alloc : memref<!tpu.dma_semaphore, #tpu.memory_space<semaphore_mem>>
        %dma_start3A_77 = arith.constant 0 : i32
        %dma_start3A_78 = tpu.memref_slice %arg4[%add3A_69, %dma_start3A_77] : memref<2656x128xi32, #tpu.memory_space<hbm>> -> memref<8x128xi32, #tpu.memory_space<hbm>>
        %dma_start3A_79 = arith.constant 0 : i32
        %dma_start3A_80 = tpu.memref_slice %arg4[%add3A_69, %dma_start3A_79] : memref<2656x128xi32, #tpu.memory_space<hbm>> -> memref<8x128xi32, #tpu.memory_space<hbm>>
        tpu.enqueue_dma source(%dma_start3A_80 : memref<8x128xi32, #tpu.memory_space<hbm>>) target(%arg8 : memref<8x128xi32, #tpu.memory_space<vmem>>) target_semaphore(%run_scoped3A : memref<!tpu.dma_semaphore, #tpu.memory_space<semaphore_mem>>)
        %dma_wait3A_81 = arith.constant 0 : i32
        %dma_wait3A_82 = tpu.memref_slice %arg4[%add3A_69, %dma_wait3A_81] : memref<2656x128xi32, #tpu.memory_space<hbm>> -> memref<8x128xi32, #tpu.memory_space<hbm>>
        %dma_wait3A_83 = arith.constant 0 : i32
        %dma_wait3A_84 = tpu.memref_slice %arg4[%add3A_69, %dma_wait3A_83] : memref<2656x128xi32, #tpu.memory_space<hbm>> -> memref<8x128xi32, #tpu.memory_space<hbm>>
        tpu.wait_dma2 semaphore(%run_scoped3A : memref<!tpu.dma_semaphore, #tpu.memory_space<semaphore_mem>>) src(%dma_wait3A_84 : memref<8x128xi32, #tpu.memory_space<hbm>>) dst(%arg8 : memref<8x128xi32, #tpu.memory_space<vmem>>)
        tpu.yield
      }) : () -> ()
      %scan3A = arith.constant 0 : i32
      %scan3A_70 = arith.constant 0 : i32
      %scan3A_71 = arith.constant 8 : i32
      %scan3A_72 = arith.addi %scan3A_70, %scan3A_71 : i32
      %scan3A_73 = arith.constant 1 : i32
      %scan3A_74 = scf.for %scan3A_77 = %scan3A_70 to %scan3A_72 step %scan3A_73 iter_args(%scan3A_78 = %scan3A) -> (i32)  : i32 {
        %mul3A_79 = arith.constant 8 : i32
        %mul3A_80 = arith.muli %while3A_63, %mul3A_79 : i32
        %add3A_81 = arith.addi %mul3A_80, %scan3A_77 : i32
        %rem3A_82 = arith.constant 2 : i32
        %rem3A_83 = arith.remsi %add3A_81, %rem3A_82 : i32
        %dma_wait3A_84 = arith.constant 0 : i32
        %dma_wait3A_85 = arith.constant 0 : i32
        %dma_wait3A_86 = tpu.memref_slice %arg9[%rem3A_83, %dma_wait3A_84, %dma_wait3A_85] : memref<2x128x128xf32, #tpu.memory_space<vmem>> -> memref<1x128x128xf32, #tpu.memory_space<vmem>>
        %dma_wait3A_87 = tpu.memref_squeeze %dma_wait3A_86 : memref<1x128x128xf32, #tpu.memory_space<vmem>> -> memref<128x128xf32, #tpu.memory_space<vmem>>
        %dma_wait3A_88 = arith.constant 0 : i32
        %dma_wait3A_89 = tpu.memref_slice %arg7[%add3A_81, %dma_wait3A_88] : memref<128x128xi32, #tpu.memory_space<vmem>> -> memref<1x128xi32, #tpu.memory_space<vmem>>
        %dma_wait3A_90 = tpu.memref_squeeze %dma_wait3A_89 : memref<1x128xi32, #tpu.memory_space<vmem>> -> memref<128xi32, #tpu.memory_space<vmem>>
        %dma_wait3A_91 = arith.constant 0 : i32
        %dma_wait3A_92 = arith.constant 0 : i32
        %dma_wait3A_93 = tpu.memref_slice %arg2[%dma_wait3A_91, %dma_wait3A_92] : memref<10000x128xf32, #tpu.memory_space<hbm>> -> memref<10000x128xf32, #tpu.memory_space<hbm>>
        tpu.wait_indirect_dma semaphore(%arg11 : memref<!tpu.dma_semaphore, #tpu.memory_space<semaphore_mem>>) src(%dma_wait3A_93 : memref<10000x128xf32, #tpu.memory_space<hbm>>) dst(%dma_wait3A_87 : memref<128x128xf32, #tpu.memory_space<vmem>>)
        %ge3A_94 = arith.constant 1 : i32
        %ge3A_95 = arith.cmpi sge, %scan3A_77, %ge3A_94 : i32
        %convert_element_type3A_96 = arith.extui %ge3A_95 : i1 to i32
        %cond3A_97 = arith.constant 0 : i32
        %cond3A_98 = arith.cmpi ne, %convert_element_type3A_96, %cond3A_97 : i32
        scf.if %cond3A_98 {
          %sub3A_115 = arith.constant 1 : i32
          %sub3A_116 = arith.subi %sub3A_115, %rem3A_83 : i32
          %dma_wait3A_117 = arith.constant 0 : i32
          %dma_wait3A_118 = arith.constant 0 : i32
          %dma_wait3A_119 = tpu.memref_slice %arg9[%sub3A_116, %dma_wait3A_117, %dma_wait3A_118] : memref<2x128x128xf32, #tpu.memory_space<vmem>> -> memref<1x128x128xf32, #tpu.memory_space<vmem>>
          %dma_wait3A_120 = tpu.memref_squeeze %dma_wait3A_119 : memref<1x128x128xf32, #tpu.memory_space<vmem>> -> memref<128x128xf32, #tpu.memory_space<vmem>>
          %dma_wait3A_121 = arith.constant 0 : i32
          %dma_wait3A_122 = tpu.memref_slice %arg8[%scan3A_77, %dma_wait3A_121] : memref<8x128xi32, #tpu.memory_space<vmem>> -> memref<1x128xi32, #tpu.memory_space<vmem>>
          %dma_wait3A_123 = tpu.memref_squeeze %dma_wait3A_122 : memref<1x128xi32, #tpu.memory_space<vmem>> -> memref<128xi32, #tpu.memory_space<vmem>>
          %dma_wait3A_124 = arith.constant 0 : i32
          %dma_wait3A_125 = arith.constant 0 : i32
          %dma_wait3A_126 = tpu.memref_slice %arg10[%dma_wait3A_124, %dma_wait3A_125] : memref<10112x128xf32, #tpu.memory_space<vmem_shared>> -> memref<10112x128xf32, #tpu.memory_space<vmem_shared>>
          tpu.wait_indirect_dma semaphore(%arg12 : memref<!tpu.dma_semaphore, #tpu.memory_space<semaphore_mem>>) src(%dma_wait3A_120 : memref<128x128xf32, #tpu.memory_space<vmem>>) dst(%dma_wait3A_126 : memref<10112x128xf32, #tpu.memory_space<vmem_shared>>)
        } else {
        }
        %add3A_99 = arith.constant 1 : i32
        %add3A_100 = arith.addi %add3A_81, %add3A_99 : i32
        %lt3A = arith.cmpi slt, %add3A_100, %select_n3A_10 : i32
        %convert_element_type3A_101 = arith.extui %lt3A : i1 to i32
        %cond3A_102 = arith.constant 0 : i32
        %cond3A_103 = arith.cmpi ne, %convert_element_type3A_101, %cond3A_102 : i32
        scf.if %cond3A_103 {
          %add3A_115 = arith.constant 1 : i32
          %add3A_116 = arith.addi %add3A_81, %add3A_115 : i32
          %sub3A_117 = arith.constant 1 : i32
          %sub3A_118 = arith.subi %sub3A_117, %rem3A_83 : i32
          %dma_start3A_119 = arith.constant 0 : i32
          %dma_start3A_120 = arith.constant 0 : i32
          %dma_start3A_121 = tpu.memref_slice %arg9[%sub3A_118, %dma_start3A_119, %dma_start3A_120] : memref<2x128x128xf32, #tpu.memory_space<vmem>> -> memref<1x128x128xf32, #tpu.memory_space<vmem>>
          %dma_start3A_122 = tpu.memref_squeeze %dma_start3A_121 : memref<1x128x128xf32, #tpu.memory_space<vmem>> -> memref<128x128xf32, #tpu.memory_space<vmem>>
          %dma_start3A_123 = arith.constant 0 : i32
          %dma_start3A_124 = tpu.memref_slice %arg7[%add3A_116, %dma_start3A_123] : memref<128x128xi32, #tpu.memory_space<vmem>> -> memref<1x128xi32, #tpu.memory_space<vmem>>
          %dma_start3A_125 = tpu.memref_squeeze %dma_start3A_124 : memref<1x128xi32, #tpu.memory_space<vmem>> -> memref<128xi32, #tpu.memory_space<vmem>>
          %dma_start3A_126 = arith.constant 0 : i32
          %dma_start3A_127 = arith.constant 0 : i32
          %dma_start3A_128 = tpu.memref_slice %arg2[%dma_start3A_126, %dma_start3A_127] : memref<10000x128xf32, #tpu.memory_space<hbm>> -> memref<10000x128xf32, #tpu.memory_space<hbm>>
          tpu.enqueue_indirect_dma source(%dma_start3A_128 : memref<10000x128xf32, #tpu.memory_space<hbm>>) target(%dma_start3A_122 : memref<128x128xf32, #tpu.memory_space<vmem>>) offsets(%dma_start3A_125 : memref<128xi32, #tpu.memory_space<vmem>>) semaphore(%arg11 : memref<!tpu.dma_semaphore, #tpu.memory_space<semaphore_mem>>)
        } else {
        }
        %dma_start3A_104 = arith.constant 0 : i32
        %dma_start3A_105 = arith.constant 0 : i32
        %dma_start3A_106 = tpu.memref_slice %arg9[%rem3A_83, %dma_start3A_104, %dma_start3A_105] : memref<2x128x128xf32, #tpu.memory_space<vmem>> -> memref<1x128x128xf32, #tpu.memory_space<vmem>>
        %dma_start3A_107 = tpu.memref_squeeze %dma_start3A_106 : memref<1x128x128xf32, #tpu.memory_space<vmem>> -> memref<128x128xf32, #tpu.memory_space<vmem>>
        %dma_start3A_108 = arith.constant 0 : i32
        %dma_start3A_109 = tpu.memref_slice %arg8[%scan3A_77, %dma_start3A_108] : memref<8x128xi32, #tpu.memory_space<vmem>> -> memref<1x128xi32, #tpu.memory_space<vmem>>
        %dma_start3A_110 = tpu.memref_squeeze %dma_start3A_109 : memref<1x128xi32, #tpu.memory_space<vmem>> -> memref<128xi32, #tpu.memory_space<vmem>>
        %dma_start3A_111 = arith.constant 0 : i32
        %dma_start3A_112 = arith.constant 0 : i32
        %dma_start3A_113 = tpu.memref_slice %arg10[%dma_start3A_111, %dma_start3A_112] : memref<10112x128xf32, #tpu.memory_space<vmem_shared>> -> memref<10112x128xf32, #tpu.memory_space<vmem_shared>>
        tpu.enqueue_indirect_dma source(%dma_start3A_107 : memref<128x128xf32, #tpu.memory_space<vmem>>) target(%dma_start3A_113 : memref<10112x128xf32, #tpu.memory_space<vmem_shared>>) offsets(%dma_start3A_110 : memref<128xi32, #tpu.memory_space<vmem>>) semaphore(%arg12 : memref<!tpu.dma_semaphore, #tpu.memory_space<semaphore_mem>>) {add = true}
        %scan3A_114 = arith.constant 0 : i32
        scf.yield %scan3A_114 : i32
      }
      %scan3A_75 = arith.constant 8 : i32
      %while3A_76 = arith.constant 0 : i32
      scf.yield %while3A_76 : i32
    }
    %while3A_49 = arith.constant 1 : i32
    %while3A_50 = scf.for %while3A_63 = %while3A_46 to %while3A_42 step %while3A_49 iter_args(%while3A_64 = %while3A_48) -> (i32)  : i32 {
      %ge3A = arith.constant 1 : i32
      %ge3A_65 = arith.cmpi sge, %while3A_63, %ge3A : i32
      %convert_element_type3A = arith.extui %ge3A_65 : i1 to i32
      %cond3A = arith.constant 0 : i32
      %cond3A_66 = arith.cmpi ne, %convert_element_type3A, %cond3A : i32
      scf.if %cond3A_66 {
        %dma_wait3A_77 = arith.constant 0 : i32
        %dma_wait3A_78 = arith.constant 0 : i32
        %dma_wait3A_79 = arith.constant 0 : i32
        %dma_wait3A_80 = arith.constant 0 : i32
        %dma_wait3A_81 = tpu.memref_slice %arg9[%dma_wait3A_77, %dma_wait3A_79, %dma_wait3A_80] : memref<2x128x128xf32, #tpu.memory_space<vmem>> -> memref<1x128x128xf32, #tpu.memory_space<vmem>>
        %dma_wait3A_82 = tpu.memref_squeeze %dma_wait3A_81 : memref<1x128x128xf32, #tpu.memory_space<vmem>> -> memref<128x128xf32, #tpu.memory_space<vmem>>
        %dma_wait3A_83 = arith.constant 0 : i32
        %dma_wait3A_84 = tpu.memref_slice %arg8[%dma_wait3A_78, %dma_wait3A_83] : memref<8x128xi32, #tpu.memory_space<vmem>> -> memref<1x128xi32, #tpu.memory_space<vmem>>
        %dma_wait3A_85 = tpu.memref_squeeze %dma_wait3A_84 : memref<1x128xi32, #tpu.memory_space<vmem>> -> memref<128xi32, #tpu.memory_space<vmem>>
        %dma_wait3A_86 = arith.constant 0 : i32
        %dma_wait3A_87 = arith.constant 0 : i32
        %dma_wait3A_88 = tpu.memref_slice %arg10[%dma_wait3A_86, %dma_wait3A_87] : memref<10112x128xf32, #tpu.memory_space<vmem_shared>> -> memref<10112x128xf32, #tpu.memory_space<vmem_shared>>
        tpu.wait_indirect_dma semaphore(%arg12 : memref<!tpu.dma_semaphore, #tpu.memory_space<semaphore_mem>>) src(%dma_wait3A_82 : memref<128x128xf32, #tpu.memory_space<vmem>>) dst(%dma_wait3A_88 : memref<10112x128xf32, #tpu.memory_space<vmem_shared>>)
      } else {
      }
      %mul3A_67 = arith.constant 8 : i32
      %mul3A_68 = arith.muli %while3A_63, %mul3A_67 : i32
      %add3A_69 = arith.addi %select_n3A, %mul3A_68 : i32
      "tpu.region"() ({
        %run_scoped3A = tpu.sem_alloc : memref<!tpu.dma_semaphore, #tpu.memory_space<semaphore_mem>>
        %dma_start3A_77 = arith.constant 0 : i32
        %dma_start3A_78 = tpu.memref_slice %arg4[%add3A_69, %dma_start3A_77] : memref<2656x128xi32, #tpu.memory_space<hbm>> -> memref<8x128xi32, #tpu.memory_space<hbm>>
        %dma_start3A_79 = arith.constant 0 : i32
        %dma_start3A_80 = tpu.memref_slice %arg4[%add3A_69, %dma_start3A_79] : memref<2656x128xi32, #tpu.memory_space<hbm>> -> memref<8x128xi32, #tpu.memory_space<hbm>>
        tpu.enqueue_dma source(%dma_start3A_80 : memref<8x128xi32, #tpu.memory_space<hbm>>) target(%arg8 : memref<8x128xi32, #tpu.memory_space<vmem>>) target_semaphore(%run_scoped3A : memref<!tpu.dma_semaphore, #tpu.memory_space<semaphore_mem>>)
        %dma_wait3A_81 = arith.constant 0 : i32
        %dma_wait3A_82 = tpu.memref_slice %arg4[%add3A_69, %dma_wait3A_81] : memref<2656x128xi32, #tpu.memory_space<hbm>> -> memref<8x128xi32, #tpu.memory_space<hbm>>
        %dma_wait3A_83 = arith.constant 0 : i32
        %dma_wait3A_84 = tpu.memref_slice %arg4[%add3A_69, %dma_wait3A_83] : memref<2656x128xi32, #tpu.memory_space<hbm>> -> memref<8x128xi32, #tpu.memory_space<hbm>>
        tpu.wait_dma2 semaphore(%run_scoped3A : memref<!tpu.dma_semaphore, #tpu.memory_space<semaphore_mem>>) src(%dma_wait3A_84 : memref<8x128xi32, #tpu.memory_space<hbm>>) dst(%arg8 : memref<8x128xi32, #tpu.memory_space<vmem>>)
        tpu.yield
      }) : () -> ()
      %scan3A = arith.constant 0 : i32
      %scan3A_70 = arith.constant 0 : i32
      %scan3A_71 = arith.constant 8 : i32
      %scan3A_72 = arith.addi %scan3A_70, %scan3A_71 : i32
      %scan3A_73 = arith.constant 1 : i32
      %scan3A_74 = scf.for %scan3A_77 = %scan3A_70 to %scan3A_72 step %scan3A_73 iter_args(%scan3A_78 = %scan3A) -> (i32)  : i32 {
        %mul3A_79 = arith.constant 8 : i32
        %mul3A_80 = arith.muli %while3A_63, %mul3A_79 : i32
        %add3A_81 = arith.addi %mul3A_80, %scan3A_77 : i32
        %rem3A_82 = arith.constant 2 : i32
        %rem3A_83 = arith.remsi %add3A_81, %rem3A_82 : i32
        %dma_wait3A_84 = arith.constant 0 : i32
        %dma_wait3A_85 = arith.constant 0 : i32
        %dma_wait3A_86 = tpu.memref_slice %arg9[%rem3A_83, %dma_wait3A_84, %dma_wait3A_85] : memref<2x128x128xf32, #tpu.memory_space<vmem>> -> memref<1x128x128xf32, #tpu.memory_space<vmem>>
        %dma_wait3A_87 = tpu.memref_squeeze %dma_wait3A_86 : memref<1x128x128xf32, #tpu.memory_space<vmem>> -> memref<128x128xf32, #tpu.memory_space<vmem>>
        %dma_wait3A_88 = arith.constant 0 : i32
        %dma_wait3A_89 = tpu.memref_slice %arg7[%add3A_81, %dma_wait3A_88] : memref<128x128xi32, #tpu.memory_space<vmem>> -> memref<1x128xi32, #tpu.memory_space<vmem>>
        %dma_wait3A_90 = tpu.memref_squeeze %dma_wait3A_89 : memref<1x128xi32, #tpu.memory_space<vmem>> -> memref<128xi32, #tpu.memory_space<vmem>>
        %dma_wait3A_91 = arith.constant 0 : i32
        %dma_wait3A_92 = arith.constant 0 : i32
        %dma_wait3A_93 = tpu.memref_slice %arg2[%dma_wait3A_91, %dma_wait3A_92] : memref<10000x128xf32, #tpu.memory_space<hbm>> -> memref<10000x128xf32, #tpu.memory_space<hbm>>
        tpu.wait_indirect_dma semaphore(%arg11 : memref<!tpu.dma_semaphore, #tpu.memory_space<semaphore_mem>>) src(%dma_wait3A_93 : memref<10000x128xf32, #tpu.memory_space<hbm>>) dst(%dma_wait3A_87 : memref<128x128xf32, #tpu.memory_space<vmem>>)
        %ge3A_94 = arith.constant 1 : i32
        %ge3A_95 = arith.cmpi sge, %scan3A_77, %ge3A_94 : i32
        %convert_element_type3A_96 = arith.extui %ge3A_95 : i1 to i32
        %cond3A_97 = arith.constant 0 : i32
        %cond3A_98 = arith.cmpi ne, %convert_element_type3A_96, %cond3A_97 : i32
        scf.if %cond3A_98 {
          %sub3A_115 = arith.constant 1 : i32
          %sub3A_116 = arith.subi %sub3A_115, %rem3A_83 : i32
          %dma_wait3A_117 = arith.constant 0 : i32
          %dma_wait3A_118 = arith.constant 0 : i32
          %dma_wait3A_119 = tpu.memref_slice %arg9[%sub3A_116, %dma_wait3A_117, %dma_wait3A_118] : memref<2x128x128xf32, #tpu.memory_space<vmem>> -> memref<1x128x128xf32, #tpu.memory_space<vmem>>
          %dma_wait3A_120 = tpu.memref_squeeze %dma_wait3A_119 : memref<1x128x128xf32, #tpu.memory_space<vmem>> -> memref<128x128xf32, #tpu.memory_space<vmem>>
          %dma_wait3A_121 = arith.constant 0 : i32
          %dma_wait3A_122 = tpu.memref_slice %arg8[%scan3A_77, %dma_wait3A_121] : memref<8x128xi32, #tpu.memory_space<vmem>> -> memref<1x128xi32, #tpu.memory_space<vmem>>
          %dma_wait3A_123 = tpu.memref_squeeze %dma_wait3A_122 : memref<1x128xi32, #tpu.memory_space<vmem>> -> memref<128xi32, #tpu.memory_space<vmem>>
          %dma_wait3A_124 = arith.constant 0 : i32
          %dma_wait3A_125 = arith.constant 0 : i32
          %dma_wait3A_126 = tpu.memref_slice %arg10[%dma_wait3A_124, %dma_wait3A_125] : memref<10112x128xf32, #tpu.memory_space<vmem_shared>> -> memref<10112x128xf32, #tpu.memory_space<vmem_shared>>
          tpu.wait_indirect_dma semaphore(%arg12 : memref<!tpu.dma_semaphore, #tpu.memory_space<semaphore_mem>>) src(%dma_wait3A_120 : memref<128x128xf32, #tpu.memory_space<vmem>>) dst(%dma_wait3A_126 : memref<10112x128xf32, #tpu.memory_space<vmem_shared>>)
        } else {
        }
        %add3A_99 = arith.constant 1 : i32
        %add3A_100 = arith.addi %add3A_81, %add3A_99 : i32
        %lt3A = arith.cmpi slt, %add3A_100, %select_n3A_10 : i32
        %convert_element_type3A_101 = arith.extui %lt3A : i1 to i32
        %cond3A_102 = arith.constant 0 : i32
        %cond3A_103 = arith.cmpi ne, %convert_element_type3A_101, %cond3A_102 : i32
        scf.if %cond3A_103 {
          %add3A_115 = arith.constant 1 : i32
          %add3A_116 = arith.addi %add3A_81, %add3A_115 : i32
          %sub3A_117 = arith.constant 1 : i32
          %sub3A_118 = arith.subi %sub3A_117, %rem3A_83 : i32
          %dma_start3A_119 = arith.constant 0 : i32
          %dma_start3A_120 = arith.constant 0 : i32
          %dma_start3A_121 = tpu.memref_slice %arg9[%sub3A_118, %dma_start3A_119, %dma_start3A_120] : memref<2x128x128xf32, #tpu.memory_space<vmem>> -> memref<1x128x128xf32, #tpu.memory_space<vmem>>
          %dma_start3A_122 = tpu.memref_squeeze %dma_start3A_121 : memref<1x128x128xf32, #tpu.memory_space<vmem>> -> memref<128x128xf32, #tpu.memory_space<vmem>>
          %dma_start3A_123 = arith.constant 0 : i32
          %dma_start3A_124 = tpu.memref_slice %arg7[%add3A_116, %dma_start3A_123] : memref<128x128xi32, #tpu.memory_space<vmem>> -> memref<1x128xi32, #tpu.memory_space<vmem>>
          %dma_start3A_125 = tpu.memref_squeeze %dma_start3A_124 : memref<1x128xi32, #tpu.memory_space<vmem>> -> memref<128xi32, #tpu.memory_space<vmem>>
          %dma_start3A_126 = arith.constant 0 : i32
          %dma_start3A_127 = arith.constant 0 : i32
          %dma_start3A_128 = tpu.memref_slice %arg2[%dma_start3A_126, %dma_start3A_127] : memref<10000x128xf32, #tpu.memory_space<hbm>> -> memref<10000x128xf32, #tpu.memory_space<hbm>>
          tpu.enqueue_indirect_dma source(%dma_start3A_128 : memref<10000x128xf32, #tpu.memory_space<hbm>>) target(%dma_start3A_122 : memref<128x128xf32, #tpu.memory_space<vmem>>) offsets(%dma_start3A_125 : memref<128xi32, #tpu.memory_space<vmem>>) semaphore(%arg11 : memref<!tpu.dma_semaphore, #tpu.memory_space<semaphore_mem>>)
        } else {
        }
        %dma_start3A_104 = arith.constant 0 : i32
        %dma_start3A_105 = arith.constant 0 : i32
        %dma_start3A_106 = tpu.memref_slice %arg9[%rem3A_83, %dma_start3A_104, %dma_start3A_105] : memref<2x128x128xf32, #tpu.memory_space<vmem>> -> memref<1x128x128xf32, #tpu.memory_space<vmem>>
        %dma_start3A_107 = tpu.memref_squeeze %dma_start3A_106 : memref<1x128x128xf32, #tpu.memory_space<vmem>> -> memref<128x128xf32, #tpu.memory_space<vmem>>
        %dma_start3A_108 = arith.constant 0 : i32
        %dma_start3A_109 = tpu.memref_slice %arg8[%scan3A_77, %dma_start3A_108] : memref<8x128xi32, #tpu.memory_space<vmem>> -> memref<1x128xi32, #tpu.memory_space<vmem>>
        %dma_start3A_110 = tpu.memref_squeeze %dma_start3A_109 : memref<1x128xi32, #tpu.memory_space<vmem>> -> memref<128xi32, #tpu.memory_space<vmem>>
        %dma_start3A_111 = arith.constant 0 : i32
        %dma_start3A_112 = arith.constant 0 : i32
        %dma_start3A_113 = tpu.memref_slice %arg10[%dma_start3A_111, %dma_start3A_112] : memref<10112x128xf32, #tpu.memory_space<vmem_shared>> -> memref<10112x128xf32, #tpu.memory_space<vmem_shared>>
        tpu.enqueue_indirect_dma source(%dma_start3A_107 : memref<128x128xf32, #tpu.memory_space<vmem>>) target(%dma_start3A_113 : memref<10112x128xf32, #tpu.memory_space<vmem_shared>>) offsets(%dma_start3A_110 : memref<128xi32, #tpu.memory_space<vmem>>) semaphore(%arg12 : memref<!tpu.dma_semaphore, #tpu.memory_space<semaphore_mem>>) {add = true}
        %scan3A_114 = arith.constant 0 : i32
        scf.yield %scan3A_114 : i32
      }
      %scan3A_75 = arith.constant 8 : i32
      %while3A_76 = arith.constant 0 : i32
      scf.yield %while3A_76 : i32
    }
    %dma_wait3A = arith.constant 0 : i32
    %dma_wait3A_51 = arith.constant 0 : i32
    %dma_wait3A_52 = arith.constant 0 : i32
    %dma_wait3A_53 = arith.constant 0 : i32
    %dma_wait3A_54 = tpu.memref_slice %arg9[%dma_wait3A, %dma_wait3A_52, %dma_wait3A_53] : memref<2x128x128xf32, #tpu.memory_space<vmem>> -> memref<1x128x128xf32, #tpu.memory_space<vmem>>
    %dma_wait3A_55 = tpu.memref_squeeze %dma_wait3A_54 : memref<1x128x128xf32, #tpu.memory_space<vmem>> -> memref<128x128xf32, #tpu.memory_space<vmem>>
    %dma_wait3A_56 = arith.constant 0 : i32
    %dma_wait3A_57 = tpu.memref_slice %arg8[%dma_wait3A_51, %dma_wait3A_56] : memref<8x128xi32, #tpu.memory_space<vmem>> -> memref<1x128xi32, #tpu.memory_space<vmem>>
    %dma_wait3A_58 = tpu.memref_squeeze %dma_wait3A_57 : memref<1x128xi32, #tpu.memory_space<vmem>> -> memref<128xi32, #tpu.memory_space<vmem>>
    %dma_wait3A_59 = arith.constant 0 : i32
    %dma_wait3A_60 = arith.constant 0 : i32
    %dma_wait3A_61 = tpu.memref_slice %arg10[%dma_wait3A_59, %dma_wait3A_60] : memref<10112x128xf32, #tpu.memory_space<vmem_shared>> -> memref<10112x128xf32, #tpu.memory_space<vmem_shared>>
    tpu.wait_indirect_dma semaphore(%arg12 : memref<!tpu.dma_semaphore, #tpu.memory_space<semaphore_mem>>) src(%dma_wait3A_55 : memref<128x128xf32, #tpu.memory_space<vmem>>) dst(%dma_wait3A_61 : memref<10112x128xf32, #tpu.memory_space<vmem_shared>>)
    %barrier3A_62 = arith.constant 0 : index
    tpu.barrier barrier_id(%barrier3A_62)
    "tpu.region"() ({
      %run_scoped3A = tpu.sem_alloc : memref<!tpu.dma_semaphore, #tpu.memory_space<semaphore_mem>>
      %dma_start3A_63 = arith.constant 0 : i32
      %dma_start3A_64 = tpu.memref_slice %arg6[%arg0, %mul3A_0, %dma_start3A_63] : memref<2x10112x128xf32, #tpu.memory_space<hbm>> -> memref<1x632x128xf32, #tpu.memory_space<hbm>>
      %dma_start3A_65 = tpu.memref_squeeze %dma_start3A_64 : memref<1x632x128xf32, #tpu.memory_space<hbm>> -> memref<632x128xf32, #tpu.memory_space<hbm>>
      %dma_start3A_66 = arith.constant 0 : i32
      %dma_start3A_67 = tpu.memref_slice %arg10[%mul3A_0, %dma_start3A_66] : memref<10112x128xf32, #tpu.memory_space<vmem_shared>> -> memref<632x128xf32, #tpu.memory_space<vmem_shared>>
      tpu.enqueue_dma source(%dma_start3A_67 : memref<632x128xf32, #tpu.memory_space<vmem_shared>>) target(%dma_start3A_65 : memref<632x128xf32, #tpu.memory_space<hbm>>) target_semaphore(%run_scoped3A : memref<!tpu.dma_semaphore, #tpu.memory_space<semaphore_mem>>)
      %dma_wait3A_68 = arith.constant 0 : i32
      %dma_wait3A_69 = tpu.memref_slice %arg6[%arg0, %mul3A_0, %dma_wait3A_68] : memref<2x10112x128xf32, #tpu.memory_space<hbm>> -> memref<1x632x128xf32, #tpu.memory_space<hbm>>
      %dma_wait3A_70 = tpu.memref_squeeze %dma_wait3A_69 : memref<1x632x128xf32, #tpu.memory_space<hbm>> -> memref<632x128xf32, #tpu.memory_space<hbm>>
      %dma_wait3A_71 = arith.constant 0 : i32
      %dma_wait3A_72 = tpu.memref_slice %arg10[%mul3A_0, %dma_wait3A_71] : memref<10112x128xf32, #tpu.memory_space<vmem_shared>> -> memref<632x128xf32, #tpu.memory_space<vmem_shared>>
      tpu.wait_dma2 semaphore(%run_scoped3A : memref<!tpu.dma_semaphore, #tpu.memory_space<semaphore_mem>>) src(%dma_wait3A_72 : memref<632x128xf32, #tpu.memory_space<vmem_shared>>) dst(%dma_wait3A_70 : memref<632x128xf32, #tpu.memory_space<hbm>>)
      tpu.yield
    }) : () -> ()
    return
  }
}

#map = affine_map<(d0, d1) -> (0, 0)>
#map1 = affine_map<(d0, d1) -> (0, 0, 0)>
module attributes {stable_mosaic.version = 14 : i64} {
  func.func @_sc_aggregate(%arg0: i32, %arg1: i32, %arg2: memref<10000x128xf32, #tpu.memory_space<hbm>>, %arg3: memref<2656x128xi32, #tpu.memory_space<hbm>>, %arg4: memref<2656x128xi32, #tpu.memory_space<hbm>>, %arg5: memref<10112x128xf32, #tpu.memory_space<hbm>>, %arg6: memref<2x10112x128xf32, #tpu.memory_space<hbm>>, %arg7: memref<128x128xi32, #tpu.memory_space<vmem>>, %arg8: memref<8x128xi32, #tpu.memory_space<vmem>>, %arg9: memref<2x128x128xf32, #tpu.memory_space<vmem>>, %arg10: memref<10112x128xf32, #tpu.memory_space<vmem_shared>>, %arg11: memref<!tpu.dma_semaphore, #tpu.memory_space<semaphore_mem>>, %arg12: memref<!tpu.dma_semaphore, #tpu.memory_space<semaphore_mem>>) attributes {dimension_semantics = [#tpu.dimension_semantics<core_parallel>, #tpu.dimension_semantics<subcore_parallel>], iteration_bounds = array<i64: 2, 16>, scalar_prefetch = 0 : i64, scratch_operands = 6 : i64, tpu.core_type = #tpu.core_type<sc_vector_subcore>, window_params = [{transform_indices = #map}, {transform_indices = #map}, {transform_indices = #map}, {transform_indices = #map}, {transform_indices = #map1}]} {
    %mul3A = arith.constant 632 : i32
    %mul3A_0 = arith.muli %arg1, %mul3A : i32
    %eq3A = arith.constant 0 : i32
    %eq3A_1 = arith.cmpi eq, %arg0, %eq3A : i32
    %mul3A_2 = arith.constant 128 : i32
    %mul3A_3 = arith.muli %arg1, %mul3A_2 : i32
    %mul3A_4 = arith.constant 32 : i32
    %mul3A_5 = arith.muli %arg1, %mul3A_4 : i32
    %add3A = arith.constant 2048 : i32
    %add3A_6 = arith.addi %add3A, %mul3A_5 : i32
    %select_n3A = arith.select %eq3A_1, %mul3A_3, %add3A_6 : i32
    %eq3A_7 = arith.constant 0 : i32
    %eq3A_8 = arith.cmpi eq, %arg0, %eq3A_7 : i32
    %jit3A = arith.constant 128 : i32
    %jit3A_9 = arith.constant 32 : i32
    %select_n3A_10 = arith.select %eq3A_8, %jit3A, %jit3A_9 : i32
    "tpu.region"() ({
      %run_scoped3A = tpu.sem_alloc : memref<!tpu.dma_semaphore, #tpu.memory_space<semaphore_mem>>
      %dma_start3A_63 = arith.constant 0 : i32
      %dma_start3A_64 = tpu.memref_slice %arg10[%mul3A_0, %dma_start3A_63] : memref<10112x128xf32, #tpu.memory_space<vmem_shared>> -> memref<632x128xf32, #tpu.memory_space<vmem_shared>>
      %dma_start3A_65 = arith.constant 0 : i32
      %dma_start3A_66 = tpu.memref_slice %arg5[%mul3A_0, %dma_start3A_65] : memref<10112x128xf32, #tpu.memory_space<hbm>> -> memref<632x128xf32, #tpu.memory_space<hbm>>
      tpu.enqueue_dma source(%dma_start3A_66 : memref<632x128xf32, #tpu.memory_space<hbm>>) target(%dma_start3A_64 : memref<632x128xf32, #tpu.memory_space<vmem_shared>>) target_semaphore(%run_scoped3A : memref<!tpu.dma_semaphore, #tpu.memory_space<semaphore_mem>>)
      %dma_wait3A_67 = arith.constant 0 : i32
      %dma_wait3A_68 = tpu.memref_slice %arg10[%mul3A_0, %dma_wait3A_67] : memref<10112x128xf32, #tpu.memory_space<vmem_shared>> -> memref<632x128xf32, #tpu.memory_space<vmem_shared>>
      %dma_wait3A_69 = arith.constant 0 : i32
      %dma_wait3A_70 = tpu.memref_slice %arg5[%mul3A_0, %dma_wait3A_69] : memref<10112x128xf32, #tpu.memory_space<hbm>> -> memref<632x128xf32, #tpu.memory_space<hbm>>
      tpu.wait_dma2 semaphore(%run_scoped3A : memref<!tpu.dma_semaphore, #tpu.memory_space<semaphore_mem>>) src(%dma_wait3A_70 : memref<632x128xf32, #tpu.memory_space<hbm>>) dst(%dma_wait3A_68 : memref<632x128xf32, #tpu.memory_space<vmem_shared>>)
      tpu.yield
    }) : () -> ()
    "tpu.region"() ({
      %run_scoped3A = tpu.sem_alloc : memref<!tpu.dma_semaphore, #tpu.memory_space<semaphore_mem>>
      %dma_start3A_63 = arith.constant 0 : i32
      %dma_start3A_64 = tpu.memref_slice %arg3[%select_n3A, %dma_start3A_63] : memref<2656x128xi32, #tpu.memory_space<hbm>> -> memref<128x128xi32, #tpu.memory_space<hbm>>
      %dma_start3A_65 = arith.constant 0 : i32
      %dma_start3A_66 = tpu.memref_slice %arg3[%select_n3A, %dma_start3A_65] : memref<2656x128xi32, #tpu.memory_space<hbm>> -> memref<128x128xi32, #tpu.memory_space<hbm>>
      tpu.enqueue_dma source(%dma_start3A_66 : memref<128x128xi32, #tpu.memory_space<hbm>>) target(%arg7 : memref<128x128xi32, #tpu.memory_space<vmem>>) target_semaphore(%run_scoped3A : memref<!tpu.dma_semaphore, #tpu.memory_space<semaphore_mem>>)
      %dma_wait3A_67 = arith.constant 0 : i32
      %dma_wait3A_68 = tpu.memref_slice %arg3[%select_n3A, %dma_wait3A_67] : memref<2656x128xi32, #tpu.memory_space<hbm>> -> memref<128x128xi32, #tpu.memory_space<hbm>>
      %dma_wait3A_69 = arith.constant 0 : i32
      %dma_wait3A_70 = tpu.memref_slice %arg3[%select_n3A, %dma_wait3A_69] : memref<2656x128xi32, #tpu.memory_space<hbm>> -> memref<128x128xi32, #tpu.memory_space<hbm>>
      tpu.wait_dma2 semaphore(%run_scoped3A : memref<!tpu.dma_semaphore, #tpu.memory_space<semaphore_mem>>) src(%dma_wait3A_70 : memref<128x128xi32, #tpu.memory_space<hbm>>) dst(%arg7 : memref<128x128xi32, #tpu.memory_space<vmem>>)
      tpu.yield
    }) : () -> ()
    %barrier3A = arith.constant 0 : index
    tpu.barrier barrier_id(%barrier3A)
    %dma_start3A = arith.constant 0 : i32
    %dma_start3A_11 = arith.constant 0 : i32
    %dma_start3A_12 = arith.constant 0 : i32
    %dma_start3A_13 = arith.constant 0 : i32
    %dma_start3A_14 = tpu.memref_slice %arg9[%dma_start3A_11, %dma_start3A_12, %dma_start3A_13] : memref<2x128x128xf32, #tpu.memory_space<vmem>> -> memref<1x128x128xf32, #tpu.memory_space<vmem>>
    %dma_start3A_15 = tpu.memref_squeeze %dma_start3A_14 : memref<1x128x128xf32, #tpu.memory_space<vmem>> -> memref<128x128xf32, #tpu.memory_space<vmem>>
    %dma_start3A_16 = arith.constant 0 : i32
    %dma_start3A_17 = tpu.memref_slice %arg7[%dma_start3A, %dma_start3A_16] : memref<128x128xi32, #tpu.memory_space<vmem>> -> memref<1x128xi32, #tpu.memory_space<vmem>>
    %dma_start3A_18 = tpu.memref_squeeze %dma_start3A_17 : memref<1x128xi32, #tpu.memory_space<vmem>> -> memref<128xi32, #tpu.memory_space<vmem>>
    %dma_start3A_19 = arith.constant 0 : i32
    %dma_start3A_20 = arith.constant 0 : i32
    %dma_start3A_21 = tpu.memref_slice %arg2[%dma_start3A_19, %dma_start3A_20] : memref<10000x128xf32, #tpu.memory_space<hbm>> -> memref<10000x128xf32, #tpu.memory_space<hbm>>
    tpu.enqueue_indirect_dma source(%dma_start3A_21 : memref<10000x128xf32, #tpu.memory_space<hbm>>) target(%dma_start3A_15 : memref<128x128xf32, #tpu.memory_space<vmem>>) offsets(%dma_start3A_18 : memref<128xi32, #tpu.memory_space<vmem>>) semaphore(%arg11 : memref<!tpu.dma_semaphore, #tpu.memory_space<semaphore_mem>>)
    %jit3A_22 = arith.constant 8 : i32
    %div3A = arith.divsi %select_n3A_10, %jit3A_22 : i32
    %sign3A = arith.constant 0 : i32
    %sign3A_23 = arith.cmpi sgt, %select_n3A_10, %sign3A : i32
    %sign3A_24 = arith.extui %sign3A_23 : i1 to i32
    %sign3A_25 = arith.constant 0 : i32
    %sign3A_26 = arith.cmpi slt, %select_n3A_10, %sign3A_25 : i32
    %sign3A_27 = arith.extui %sign3A_26 : i1 to i32
    %sign3A_28 = arith.subi %sign3A_24, %sign3A_27 : i32
    %sign3A_29 = arith.constant 0 : i32
    %sign3A_30 = arith.cmpi sgt, %jit3A_22, %sign3A_29 : i32
    %sign3A_31 = arith.extui %sign3A_30 : i1 to i32
    %sign3A_32 = arith.constant 0 : i32
    %sign3A_33 = arith.cmpi slt, %jit3A_22, %sign3A_32 : i32
    %sign3A_34 = arith.extui %sign3A_33 : i1 to i32
    %sign3A_35 = arith.subi %sign3A_31, %sign3A_34 : i32
    %ne3A = arith.cmpi ne, %sign3A_28, %sign3A_35 : i32
    %rem3A = arith.remsi %select_n3A_10, %jit3A_22 : i32
    %ne3A_36 = arith.constant 0 : i32
    %ne3A_37 = arith.cmpi ne, %rem3A, %ne3A_36 : i32
    %and3A = arith.andi %ne3A, %ne3A_37 : i1
    %sub3A = arith.constant 1 : i32
    %sub3A_38 = arith.subi %div3A, %sub3A : i32
    %select_n3A_39 = arith.select %and3A, %sub3A_38, %div3A : i32
    %while3A = arith.constant 0 : i32
    %while3A_40 = arith.constant 0 : i32
    %while3A_41 = arith.subi %select_n3A_39, %while3A : i32
    %while3A_42 = arith.addi %while3A, %while3A_41 : i32
    %while3A_43 = arith.constant 1 : i32
    %while3A_44 = arith.divsi %while3A_41, %while3A_43 : i32
    %while3A_45 = arith.muli %while3A_44, %while3A_43 : i32
    %while3A_46 = arith.addi %while3A, %while3A_45 : i32
    %while3A_47 = arith.constant 1 : i32
    %while3A_48 = scf.for %while3A_63 = %while3A to %while3A_46 step %while3A_47 iter_args(%while3A_64 = %while3A_40) -> (i32)  : i32 {
      %ge3A = arith.constant 1 : i32
      %ge3A_65 = arith.cmpi sge, %while3A_63, %ge3A : i32
      %convert_element_type3A = arith.extui %ge3A_65 : i1 to i32
      %cond3A = arith.constant 0 : i32
      %cond3A_66 = arith.cmpi ne, %convert_element_type3A, %cond3A : i32
      scf.if %cond3A_66 {
        %dma_wait3A_77 = arith.constant 0 : i32
        %dma_wait3A_78 = arith.constant 0 : i32
        %dma_wait3A_79 = arith.constant 0 : i32
        %dma_wait3A_80 = arith.constant 0 : i32
        %dma_wait3A_81 = tpu.memref_slice %arg9[%dma_wait3A_77, %dma_wait3A_79, %dma_wait3A_80] : memref<2x128x128xf32, #tpu.memory_space<vmem>> -> memref<1x128x128xf32, #tpu.memory_space<vmem>>
        %dma_wait3A_82 = tpu.memref_squeeze %dma_wait3A_81 : memref<1x128x128xf32, #tpu.memory_space<vmem>> -> memref<128x128xf32, #tpu.memory_space<vmem>>
        %dma_wait3A_83 = arith.constant 0 : i32
        %dma_wait3A_84 = tpu.memref_slice %arg8[%dma_wait3A_78, %dma_wait3A_83] : memref<8x128xi32, #tpu.memory_space<vmem>> -> memref<1x128xi32, #tpu.memory_space<vmem>>
        %dma_wait3A_85 = tpu.memref_squeeze %dma_wait3A_84 : memref<1x128xi32, #tpu.memory_space<vmem>> -> memref<128xi32, #tpu.memory_space<vmem>>
        %dma_wait3A_86 = arith.constant 0 : i32
        %dma_wait3A_87 = arith.constant 0 : i32
        %dma_wait3A_88 = tpu.memref_slice %arg10[%dma_wait3A_86, %dma_wait3A_87] : memref<10112x128xf32, #tpu.memory_space<vmem_shared>> -> memref<10112x128xf32, #tpu.memory_space<vmem_shared>>
        tpu.wait_indirect_dma semaphore(%arg12 : memref<!tpu.dma_semaphore, #tpu.memory_space<semaphore_mem>>) src(%dma_wait3A_82 : memref<128x128xf32, #tpu.memory_space<vmem>>) dst(%dma_wait3A_88 : memref<10112x128xf32, #tpu.memory_space<vmem_shared>>)
      } else {
      }
      %mul3A_67 = arith.constant 8 : i32
      %mul3A_68 = arith.muli %while3A_63, %mul3A_67 : i32
      %add3A_69 = arith.addi %select_n3A, %mul3A_68 : i32
      "tpu.region"() ({
        %run_scoped3A = tpu.sem_alloc : memref<!tpu.dma_semaphore, #tpu.memory_space<semaphore_mem>>
        %dma_start3A_77 = arith.constant 0 : i32
        %dma_start3A_78 = tpu.memref_slice %arg4[%add3A_69, %dma_start3A_77] : memref<2656x128xi32, #tpu.memory_space<hbm>> -> memref<8x128xi32, #tpu.memory_space<hbm>>
        %dma_start3A_79 = arith.constant 0 : i32
        %dma_start3A_80 = tpu.memref_slice %arg4[%add3A_69, %dma_start3A_79] : memref<2656x128xi32, #tpu.memory_space<hbm>> -> memref<8x128xi32, #tpu.memory_space<hbm>>
        tpu.enqueue_dma source(%dma_start3A_80 : memref<8x128xi32, #tpu.memory_space<hbm>>) target(%arg8 : memref<8x128xi32, #tpu.memory_space<vmem>>) target_semaphore(%run_scoped3A : memref<!tpu.dma_semaphore, #tpu.memory_space<semaphore_mem>>)
        %dma_wait3A_81 = arith.constant 0 : i32
        %dma_wait3A_82 = tpu.memref_slice %arg4[%add3A_69, %dma_wait3A_81] : memref<2656x128xi32, #tpu.memory_space<hbm>> -> memref<8x128xi32, #tpu.memory_space<hbm>>
        %dma_wait3A_83 = arith.constant 0 : i32
        %dma_wait3A_84 = tpu.memref_slice %arg4[%add3A_69, %dma_wait3A_83] : memref<2656x128xi32, #tpu.memory_space<hbm>> -> memref<8x128xi32, #tpu.memory_space<hbm>>
        tpu.wait_dma2 semaphore(%run_scoped3A : memref<!tpu.dma_semaphore, #tpu.memory_space<semaphore_mem>>) src(%dma_wait3A_84 : memref<8x128xi32, #tpu.memory_space<hbm>>) dst(%arg8 : memref<8x128xi32, #tpu.memory_space<vmem>>)
        tpu.yield
      }) : () -> ()
      %scan3A = arith.constant 0 : i32
      %scan3A_70 = arith.constant 0 : i32
      %scan3A_71 = arith.constant 8 : i32
      %scan3A_72 = arith.addi %scan3A_70, %scan3A_71 : i32
      %scan3A_73 = arith.constant 1 : i32
      %scan3A_74 = scf.for %scan3A_77 = %scan3A_70 to %scan3A_72 step %scan3A_73 iter_args(%scan3A_78 = %scan3A) -> (i32)  : i32 {
        %mul3A_79 = arith.constant 8 : i32
        %mul3A_80 = arith.muli %while3A_63, %mul3A_79 : i32
        %add3A_81 = arith.addi %mul3A_80, %scan3A_77 : i32
        %rem3A_82 = arith.constant 2 : i32
        %rem3A_83 = arith.remsi %add3A_81, %rem3A_82 : i32
        %dma_wait3A_84 = arith.constant 0 : i32
        %dma_wait3A_85 = arith.constant 0 : i32
        %dma_wait3A_86 = tpu.memref_slice %arg9[%rem3A_83, %dma_wait3A_84, %dma_wait3A_85] : memref<2x128x128xf32, #tpu.memory_space<vmem>> -> memref<1x128x128xf32, #tpu.memory_space<vmem>>
        %dma_wait3A_87 = tpu.memref_squeeze %dma_wait3A_86 : memref<1x128x128xf32, #tpu.memory_space<vmem>> -> memref<128x128xf32, #tpu.memory_space<vmem>>
        %dma_wait3A_88 = arith.constant 0 : i32
        %dma_wait3A_89 = tpu.memref_slice %arg7[%add3A_81, %dma_wait3A_88] : memref<128x128xi32, #tpu.memory_space<vmem>> -> memref<1x128xi32, #tpu.memory_space<vmem>>
        %dma_wait3A_90 = tpu.memref_squeeze %dma_wait3A_89 : memref<1x128xi32, #tpu.memory_space<vmem>> -> memref<128xi32, #tpu.memory_space<vmem>>
        %dma_wait3A_91 = arith.constant 0 : i32
        %dma_wait3A_92 = arith.constant 0 : i32
        %dma_wait3A_93 = tpu.memref_slice %arg2[%dma_wait3A_91, %dma_wait3A_92] : memref<10000x128xf32, #tpu.memory_space<hbm>> -> memref<10000x128xf32, #tpu.memory_space<hbm>>
        tpu.wait_indirect_dma semaphore(%arg11 : memref<!tpu.dma_semaphore, #tpu.memory_space<semaphore_mem>>) src(%dma_wait3A_93 : memref<10000x128xf32, #tpu.memory_space<hbm>>) dst(%dma_wait3A_87 : memref<128x128xf32, #tpu.memory_space<vmem>>)
        %ge3A_94 = arith.constant 1 : i32
        %ge3A_95 = arith.cmpi sge, %scan3A_77, %ge3A_94 : i32
        %convert_element_type3A_96 = arith.extui %ge3A_95 : i1 to i32
        %cond3A_97 = arith.constant 0 : i32
        %cond3A_98 = arith.cmpi ne, %convert_element_type3A_96, %cond3A_97 : i32
        scf.if %cond3A_98 {
          %sub3A_115 = arith.constant 1 : i32
          %sub3A_116 = arith.subi %sub3A_115, %rem3A_83 : i32
          %dma_wait3A_117 = arith.constant 0 : i32
          %dma_wait3A_118 = arith.constant 0 : i32
          %dma_wait3A_119 = tpu.memref_slice %arg9[%sub3A_116, %dma_wait3A_117, %dma_wait3A_118] : memref<2x128x128xf32, #tpu.memory_space<vmem>> -> memref<1x128x128xf32, #tpu.memory_space<vmem>>
          %dma_wait3A_120 = tpu.memref_squeeze %dma_wait3A_119 : memref<1x128x128xf32, #tpu.memory_space<vmem>> -> memref<128x128xf32, #tpu.memory_space<vmem>>
          %dma_wait3A_121 = arith.constant 0 : i32
          %dma_wait3A_122 = tpu.memref_slice %arg8[%scan3A_77, %dma_wait3A_121] : memref<8x128xi32, #tpu.memory_space<vmem>> -> memref<1x128xi32, #tpu.memory_space<vmem>>
          %dma_wait3A_123 = tpu.memref_squeeze %dma_wait3A_122 : memref<1x128xi32, #tpu.memory_space<vmem>> -> memref<128xi32, #tpu.memory_space<vmem>>
          %dma_wait3A_124 = arith.constant 0 : i32
          %dma_wait3A_125 = arith.constant 0 : i32
          %dma_wait3A_126 = tpu.memref_slice %arg10[%dma_wait3A_124, %dma_wait3A_125] : memref<10112x128xf32, #tpu.memory_space<vmem_shared>> -> memref<10112x128xf32, #tpu.memory_space<vmem_shared>>
          tpu.wait_indirect_dma semaphore(%arg12 : memref<!tpu.dma_semaphore, #tpu.memory_space<semaphore_mem>>) src(%dma_wait3A_120 : memref<128x128xf32, #tpu.memory_space<vmem>>) dst(%dma_wait3A_126 : memref<10112x128xf32, #tpu.memory_space<vmem_shared>>)
        } else {
        }
        %add3A_99 = arith.constant 1 : i32
        %add3A_100 = arith.addi %add3A_81, %add3A_99 : i32
        %lt3A = arith.cmpi slt, %add3A_100, %select_n3A_10 : i32
        %convert_element_type3A_101 = arith.extui %lt3A : i1 to i32
        %cond3A_102 = arith.constant 0 : i32
        %cond3A_103 = arith.cmpi ne, %convert_element_type3A_101, %cond3A_102 : i32
        scf.if %cond3A_103 {
          %add3A_115 = arith.constant 1 : i32
          %add3A_116 = arith.addi %add3A_81, %add3A_115 : i32
          %sub3A_117 = arith.constant 1 : i32
          %sub3A_118 = arith.subi %sub3A_117, %rem3A_83 : i32
          %dma_start3A_119 = arith.constant 0 : i32
          %dma_start3A_120 = arith.constant 0 : i32
          %dma_start3A_121 = tpu.memref_slice %arg9[%sub3A_118, %dma_start3A_119, %dma_start3A_120] : memref<2x128x128xf32, #tpu.memory_space<vmem>> -> memref<1x128x128xf32, #tpu.memory_space<vmem>>
          %dma_start3A_122 = tpu.memref_squeeze %dma_start3A_121 : memref<1x128x128xf32, #tpu.memory_space<vmem>> -> memref<128x128xf32, #tpu.memory_space<vmem>>
          %dma_start3A_123 = arith.constant 0 : i32
          %dma_start3A_124 = tpu.memref_slice %arg7[%add3A_116, %dma_start3A_123] : memref<128x128xi32, #tpu.memory_space<vmem>> -> memref<1x128xi32, #tpu.memory_space<vmem>>
          %dma_start3A_125 = tpu.memref_squeeze %dma_start3A_124 : memref<1x128xi32, #tpu.memory_space<vmem>> -> memref<128xi32, #tpu.memory_space<vmem>>
          %dma_start3A_126 = arith.constant 0 : i32
          %dma_start3A_127 = arith.constant 0 : i32
          %dma_start3A_128 = tpu.memref_slice %arg2[%dma_start3A_126, %dma_start3A_127] : memref<10000x128xf32, #tpu.memory_space<hbm>> -> memref<10000x128xf32, #tpu.memory_space<hbm>>
          tpu.enqueue_indirect_dma source(%dma_start3A_128 : memref<10000x128xf32, #tpu.memory_space<hbm>>) target(%dma_start3A_122 : memref<128x128xf32, #tpu.memory_space<vmem>>) offsets(%dma_start3A_125 : memref<128xi32, #tpu.memory_space<vmem>>) semaphore(%arg11 : memref<!tpu.dma_semaphore, #tpu.memory_space<semaphore_mem>>)
        } else {
        }
        %dma_start3A_104 = arith.constant 0 : i32
        %dma_start3A_105 = arith.constant 0 : i32
        %dma_start3A_106 = tpu.memref_slice %arg9[%rem3A_83, %dma_start3A_104, %dma_start3A_105] : memref<2x128x128xf32, #tpu.memory_space<vmem>> -> memref<1x128x128xf32, #tpu.memory_space<vmem>>
        %dma_start3A_107 = tpu.memref_squeeze %dma_start3A_106 : memref<1x128x128xf32, #tpu.memory_space<vmem>> -> memref<128x128xf32, #tpu.memory_space<vmem>>
        %dma_start3A_108 = arith.constant 0 : i32
        %dma_start3A_109 = tpu.memref_slice %arg8[%scan3A_77, %dma_start3A_108] : memref<8x128xi32, #tpu.memory_space<vmem>> -> memref<1x128xi32, #tpu.memory_space<vmem>>
        %dma_start3A_110 = tpu.memref_squeeze %dma_start3A_109 : memref<1x128xi32, #tpu.memory_space<vmem>> -> memref<128xi32, #tpu.memory_space<vmem>>
        %dma_start3A_111 = arith.constant 0 : i32
        %dma_start3A_112 = arith.constant 0 : i32
        %dma_start3A_113 = tpu.memref_slice %arg10[%dma_start3A_111, %dma_start3A_112] : memref<10112x128xf32, #tpu.memory_space<vmem_shared>> -> memref<10112x128xf32, #tpu.memory_space<vmem_shared>>
        tpu.enqueue_indirect_dma source(%dma_start3A_107 : memref<128x128xf32, #tpu.memory_space<vmem>>) target(%dma_start3A_113 : memref<10112x128xf32, #tpu.memory_space<vmem_shared>>) offsets(%dma_start3A_110 : memref<128xi32, #tpu.memory_space<vmem>>) semaphore(%arg12 : memref<!tpu.dma_semaphore, #tpu.memory_space<semaphore_mem>>) {add = true}
        %scan3A_114 = arith.constant 0 : i32
        scf.yield %scan3A_114 : i32
      }
      %scan3A_75 = arith.constant 8 : i32
      %while3A_76 = arith.constant 0 : i32
      scf.yield %while3A_76 : i32
    }
    %while3A_49 = arith.constant 1 : i32
    %while3A_50 = scf.for %while3A_63 = %while3A_46 to %while3A_42 step %while3A_49 iter_args(%while3A_64 = %while3A_48) -> (i32)  : i32 {
      %ge3A = arith.constant 1 : i32
      %ge3A_65 = arith.cmpi sge, %while3A_63, %ge3A : i32
      %convert_element_type3A = arith.extui %ge3A_65 : i1 to i32
      %cond3A = arith.constant 0 : i32
      %cond3A_66 = arith.cmpi ne, %convert_element_type3A, %cond3A : i32
      scf.if %cond3A_66 {
        %dma_wait3A_77 = arith.constant 0 : i32
        %dma_wait3A_78 = arith.constant 0 : i32
        %dma_wait3A_79 = arith.constant 0 : i32
        %dma_wait3A_80 = arith.constant 0 : i32
        %dma_wait3A_81 = tpu.memref_slice %arg9[%dma_wait3A_77, %dma_wait3A_79, %dma_wait3A_80] : memref<2x128x128xf32, #tpu.memory_space<vmem>> -> memref<1x128x128xf32, #tpu.memory_space<vmem>>
        %dma_wait3A_82 = tpu.memref_squeeze %dma_wait3A_81 : memref<1x128x128xf32, #tpu.memory_space<vmem>> -> memref<128x128xf32, #tpu.memory_space<vmem>>
        %dma_wait3A_83 = arith.constant 0 : i32
        %dma_wait3A_84 = tpu.memref_slice %arg8[%dma_wait3A_78, %dma_wait3A_83] : memref<8x128xi32, #tpu.memory_space<vmem>> -> memref<1x128xi32, #tpu.memory_space<vmem>>
        %dma_wait3A_85 = tpu.memref_squeeze %dma_wait3A_84 : memref<1x128xi32, #tpu.memory_space<vmem>> -> memref<128xi32, #tpu.memory_space<vmem>>
        %dma_wait3A_86 = arith.constant 0 : i32
        %dma_wait3A_87 = arith.constant 0 : i32
        %dma_wait3A_88 = tpu.memref_slice %arg10[%dma_wait3A_86, %dma_wait3A_87] : memref<10112x128xf32, #tpu.memory_space<vmem_shared>> -> memref<10112x128xf32, #tpu.memory_space<vmem_shared>>
        tpu.wait_indirect_dma semaphore(%arg12 : memref<!tpu.dma_semaphore, #tpu.memory_space<semaphore_mem>>) src(%dma_wait3A_82 : memref<128x128xf32, #tpu.memory_space<vmem>>) dst(%dma_wait3A_88 : memref<10112x128xf32, #tpu.memory_space<vmem_shared>>)
      } else {
      }
      %mul3A_67 = arith.constant 8 : i32
      %mul3A_68 = arith.muli %while3A_63, %mul3A_67 : i32
      %add3A_69 = arith.addi %select_n3A, %mul3A_68 : i32
      "tpu.region"() ({
        %run_scoped3A = tpu.sem_alloc : memref<!tpu.dma_semaphore, #tpu.memory_space<semaphore_mem>>
        %dma_start3A_77 = arith.constant 0 : i32
        %dma_start3A_78 = tpu.memref_slice %arg4[%add3A_69, %dma_start3A_77] : memref<2656x128xi32, #tpu.memory_space<hbm>> -> memref<8x128xi32, #tpu.memory_space<hbm>>
        %dma_start3A_79 = arith.constant 0 : i32
        %dma_start3A_80 = tpu.memref_slice %arg4[%add3A_69, %dma_start3A_79] : memref<2656x128xi32, #tpu.memory_space<hbm>> -> memref<8x128xi32, #tpu.memory_space<hbm>>
        tpu.enqueue_dma source(%dma_start3A_80 : memref<8x128xi32, #tpu.memory_space<hbm>>) target(%arg8 : memref<8x128xi32, #tpu.memory_space<vmem>>) target_semaphore(%run_scoped3A : memref<!tpu.dma_semaphore, #tpu.memory_space<semaphore_mem>>)
        %dma_wait3A_81 = arith.constant 0 : i32
        %dma_wait3A_82 = tpu.memref_slice %arg4[%add3A_69, %dma_wait3A_81] : memref<2656x128xi32, #tpu.memory_space<hbm>> -> memref<8x128xi32, #tpu.memory_space<hbm>>
        %dma_wait3A_83 = arith.constant 0 : i32
        %dma_wait3A_84 = tpu.memref_slice %arg4[%add3A_69, %dma_wait3A_83] : memref<2656x128xi32, #tpu.memory_space<hbm>> -> memref<8x128xi32, #tpu.memory_space<hbm>>
        tpu.wait_dma2 semaphore(%run_scoped3A : memref<!tpu.dma_semaphore, #tpu.memory_space<semaphore_mem>>) src(%dma_wait3A_84 : memref<8x128xi32, #tpu.memory_space<hbm>>) dst(%arg8 : memref<8x128xi32, #tpu.memory_space<vmem>>)
        tpu.yield
      }) : () -> ()
      %scan3A = arith.constant 0 : i32
      %scan3A_70 = arith.constant 0 : i32
      %scan3A_71 = arith.constant 8 : i32
      %scan3A_72 = arith.addi %scan3A_70, %scan3A_71 : i32
      %scan3A_73 = arith.constant 1 : i32
      %scan3A_74 = scf.for %scan3A_77 = %scan3A_70 to %scan3A_72 step %scan3A_73 iter_args(%scan3A_78 = %scan3A) -> (i32)  : i32 {
        %mul3A_79 = arith.constant 8 : i32
        %mul3A_80 = arith.muli %while3A_63, %mul3A_79 : i32
        %add3A_81 = arith.addi %mul3A_80, %scan3A_77 : i32
        %rem3A_82 = arith.constant 2 : i32
        %rem3A_83 = arith.remsi %add3A_81, %rem3A_82 : i32
        %dma_wait3A_84 = arith.constant 0 : i32
        %dma_wait3A_85 = arith.constant 0 : i32
        %dma_wait3A_86 = tpu.memref_slice %arg9[%rem3A_83, %dma_wait3A_84, %dma_wait3A_85] : memref<2x128x128xf32, #tpu.memory_space<vmem>> -> memref<1x128x128xf32, #tpu.memory_space<vmem>>
        %dma_wait3A_87 = tpu.memref_squeeze %dma_wait3A_86 : memref<1x128x128xf32, #tpu.memory_space<vmem>> -> memref<128x128xf32, #tpu.memory_space<vmem>>
        %dma_wait3A_88 = arith.constant 0 : i32
        %dma_wait3A_89 = tpu.memref_slice %arg7[%add3A_81, %dma_wait3A_88] : memref<128x128xi32, #tpu.memory_space<vmem>> -> memref<1x128xi32, #tpu.memory_space<vmem>>
        %dma_wait3A_90 = tpu.memref_squeeze %dma_wait3A_89 : memref<1x128xi32, #tpu.memory_space<vmem>> -> memref<128xi32, #tpu.memory_space<vmem>>
        %dma_wait3A_91 = arith.constant 0 : i32
        %dma_wait3A_92 = arith.constant 0 : i32
        %dma_wait3A_93 = tpu.memref_slice %arg2[%dma_wait3A_91, %dma_wait3A_92] : memref<10000x128xf32, #tpu.memory_space<hbm>> -> memref<10000x128xf32, #tpu.memory_space<hbm>>
        tpu.wait_indirect_dma semaphore(%arg11 : memref<!tpu.dma_semaphore, #tpu.memory_space<semaphore_mem>>) src(%dma_wait3A_93 : memref<10000x128xf32, #tpu.memory_space<hbm>>) dst(%dma_wait3A_87 : memref<128x128xf32, #tpu.memory_space<vmem>>)
        %ge3A_94 = arith.constant 1 : i32
        %ge3A_95 = arith.cmpi sge, %scan3A_77, %ge3A_94 : i32
        %convert_element_type3A_96 = arith.extui %ge3A_95 : i1 to i32
        %cond3A_97 = arith.constant 0 : i32
        %cond3A_98 = arith.cmpi ne, %convert_element_type3A_96, %cond3A_97 : i32
        scf.if %cond3A_98 {
          %sub3A_115 = arith.constant 1 : i32
          %sub3A_116 = arith.subi %sub3A_115, %rem3A_83 : i32
          %dma_wait3A_117 = arith.constant 0 : i32
          %dma_wait3A_118 = arith.constant 0 : i32
          %dma_wait3A_119 = tpu.memref_slice %arg9[%sub3A_116, %dma_wait3A_117, %dma_wait3A_118] : memref<2x128x128xf32, #tpu.memory_space<vmem>> -> memref<1x128x128xf32, #tpu.memory_space<vmem>>
          %dma_wait3A_120 = tpu.memref_squeeze %dma_wait3A_119 : memref<1x128x128xf32, #tpu.memory_space<vmem>> -> memref<128x128xf32, #tpu.memory_space<vmem>>
          %dma_wait3A_121 = arith.constant 0 : i32
          %dma_wait3A_122 = tpu.memref_slice %arg8[%scan3A_77, %dma_wait3A_121] : memref<8x128xi32, #tpu.memory_space<vmem>> -> memref<1x128xi32, #tpu.memory_space<vmem>>
          %dma_wait3A_123 = tpu.memref_squeeze %dma_wait3A_122 : memref<1x128xi32, #tpu.memory_space<vmem>> -> memref<128xi32, #tpu.memory_space<vmem>>
          %dma_wait3A_124 = arith.constant 0 : i32
          %dma_wait3A_125 = arith.constant 0 : i32
          %dma_wait3A_126 = tpu.memref_slice %arg10[%dma_wait3A_124, %dma_wait3A_125] : memref<10112x128xf32, #tpu.memory_space<vmem_shared>> -> memref<10112x128xf32, #tpu.memory_space<vmem_shared>>
          tpu.wait_indirect_dma semaphore(%arg12 : memref<!tpu.dma_semaphore, #tpu.memory_space<semaphore_mem>>) src(%dma_wait3A_120 : memref<128x128xf32, #tpu.memory_space<vmem>>) dst(%dma_wait3A_126 : memref<10112x128xf32, #tpu.memory_space<vmem_shared>>)
        } else {
        }
        %add3A_99 = arith.constant 1 : i32
        %add3A_100 = arith.addi %add3A_81, %add3A_99 : i32
        %lt3A = arith.cmpi slt, %add3A_100, %select_n3A_10 : i32
        %convert_element_type3A_101 = arith.extui %lt3A : i1 to i32
        %cond3A_102 = arith.constant 0 : i32
        %cond3A_103 = arith.cmpi ne, %convert_element_type3A_101, %cond3A_102 : i32
        scf.if %cond3A_103 {
          %add3A_115 = arith.constant 1 : i32
          %add3A_116 = arith.addi %add3A_81, %add3A_115 : i32
          %sub3A_117 = arith.constant 1 : i32
          %sub3A_118 = arith.subi %sub3A_117, %rem3A_83 : i32
          %dma_start3A_119 = arith.constant 0 : i32
          %dma_start3A_120 = arith.constant 0 : i32
          %dma_start3A_121 = tpu.memref_slice %arg9[%sub3A_118, %dma_start3A_119, %dma_start3A_120] : memref<2x128x128xf32, #tpu.memory_space<vmem>> -> memref<1x128x128xf32, #tpu.memory_space<vmem>>
          %dma_start3A_122 = tpu.memref_squeeze %dma_start3A_121 : memref<1x128x128xf32, #tpu.memory_space<vmem>> -> memref<128x128xf32, #tpu.memory_space<vmem>>
          %dma_start3A_123 = arith.constant 0 : i32
          %dma_start3A_124 = tpu.memref_slice %arg7[%add3A_116, %dma_start3A_123] : memref<128x128xi32, #tpu.memory_space<vmem>> -> memref<1x128xi32, #tpu.memory_space<vmem>>
          %dma_start3A_125 = tpu.memref_squeeze %dma_start3A_124 : memref<1x128xi32, #tpu.memory_space<vmem>> -> memref<128xi32, #tpu.memory_space<vmem>>
          %dma_start3A_126 = arith.constant 0 : i32
          %dma_start3A_127 = arith.constant 0 : i32
          %dma_start3A_128 = tpu.memref_slice %arg2[%dma_start3A_126, %dma_start3A_127] : memref<10000x128xf32, #tpu.memory_space<hbm>> -> memref<10000x128xf32, #tpu.memory_space<hbm>>
          tpu.enqueue_indirect_dma source(%dma_start3A_128 : memref<10000x128xf32, #tpu.memory_space<hbm>>) target(%dma_start3A_122 : memref<128x128xf32, #tpu.memory_space<vmem>>) offsets(%dma_start3A_125 : memref<128xi32, #tpu.memory_space<vmem>>) semaphore(%arg11 : memref<!tpu.dma_semaphore, #tpu.memory_space<semaphore_mem>>)
        } else {
        }
        %dma_start3A_104 = arith.constant 0 : i32
        %dma_start3A_105 = arith.constant 0 : i32
        %dma_start3A_106 = tpu.memref_slice %arg9[%rem3A_83, %dma_start3A_104, %dma_start3A_105] : memref<2x128x128xf32, #tpu.memory_space<vmem>> -> memref<1x128x128xf32, #tpu.memory_space<vmem>>
        %dma_start3A_107 = tpu.memref_squeeze %dma_start3A_106 : memref<1x128x128xf32, #tpu.memory_space<vmem>> -> memref<128x128xf32, #tpu.memory_space<vmem>>
        %dma_start3A_108 = arith.constant 0 : i32
        %dma_start3A_109 = tpu.memref_slice %arg8[%scan3A_77, %dma_start3A_108] : memref<8x128xi32, #tpu.memory_space<vmem>> -> memref<1x128xi32, #tpu.memory_space<vmem>>
        %dma_start3A_110 = tpu.memref_squeeze %dma_start3A_109 : memref<1x128xi32, #tpu.memory_space<vmem>> -> memref<128xi32, #tpu.memory_space<vmem>>
        %dma_start3A_111 = arith.constant 0 : i32
        %dma_start3A_112 = arith.constant 0 : i32
        %dma_start3A_113 = tpu.memref_slice %arg10[%dma_start3A_111, %dma_start3A_112] : memref<10112x128xf32, #tpu.memory_space<vmem_shared>> -> memref<10112x128xf32, #tpu.memory_space<vmem_shared>>
        tpu.enqueue_indirect_dma source(%dma_start3A_107 : memref<128x128xf32, #tpu.memory_space<vmem>>) target(%dma_start3A_113 : memref<10112x128xf32, #tpu.memory_space<vmem_shared>>) offsets(%dma_start3A_110 : memref<128xi32, #tpu.memory_space<vmem>>) semaphore(%arg12 : memref<!tpu.dma_semaphore, #tpu.memory_space<semaphore_mem>>) {add = true}
        %scan3A_114 = arith.constant 0 : i32
        scf.yield %scan3A_114 : i32
      }
      %scan3A_75 = arith.constant 8 : i32
      %while3A_76 = arith.constant 0 : i32
      scf.yield %while3A_76 : i32
    }
    %dma_wait3A = arith.constant 0 : i32
    %dma_wait3A_51 = arith.constant 0 : i32
    %dma_wait3A_52 = arith.constant 0 : i32
    %dma_wait3A_53 = arith.constant 0 : i32
    %dma_wait3A_54 = tpu.memref_slice %arg9[%dma_wait3A, %dma_wait3A_52, %dma_wait3A_53] : memref<2x128x128xf32, #tpu.memory_space<vmem>> -> memref<1x128x128xf32, #tpu.memory_space<vmem>>
    %dma_wait3A_55 = tpu.memref_squeeze %dma_wait3A_54 : memref<1x128x128xf32, #tpu.memory_space<vmem>> -> memref<128x128xf32, #tpu.memory_space<vmem>>
    %dma_wait3A_56 = arith.constant 0 : i32
    %dma_wait3A_57 = tpu.memref_slice %arg8[%dma_wait3A_51, %dma_wait3A_56] : memref<8x128xi32, #tpu.memory_space<vmem>> -> memref<1x128xi32, #tpu.memory_space<vmem>>
    %dma_wait3A_58 = tpu.memref_squeeze %dma_wait3A_57 : memref<1x128xi32, #tpu.memory_space<vmem>> -> memref<128xi32, #tpu.memory_space<vmem>>
    %dma_wait3A_59 = arith.constant 0 : i32
    %dma_wait3A_60 = arith.constant 0 : i32
    %dma_wait3A_61 = tpu.memref_slice %arg10[%dma_wait3A_59, %dma_wait3A_60] : memref<10112x128xf32, #tpu.memory_space<vmem_shared>> -> memref<10112x128xf32, #tpu.memory_space<vmem_shared>>
    tpu.wait_indirect_dma semaphore(%arg12 : memref<!tpu.dma_semaphore, #tpu.memory_space<semaphore_mem>>) src(%dma_wait3A_55 : memref<128x128xf32, #tpu.memory_space<vmem>>) dst(%dma_wait3A_61 : memref<10112x128xf32, #tpu.memory_space<vmem_shared>>)
    %barrier3A_62 = arith.constant 0 : index
    tpu.barrier barrier_id(%barrier3A_62)
    "tpu.region"() ({
      %run_scoped3A = tpu.sem_alloc : memref<!tpu.dma_semaphore, #tpu.memory_space<semaphore_mem>>
      %dma_start3A_63 = arith.constant 0 : i32
      %dma_start3A_64 = tpu.memref_slice %arg6[%arg0, %mul3A_0, %dma_start3A_63] : memref<2x10112x128xf32, #tpu.memory_space<hbm>> -> memref<1x632x128xf32, #tpu.memory_space<hbm>>
      %dma_start3A_65 = tpu.memref_squeeze %dma_start3A_64 : memref<1x632x128xf32, #tpu.memory_space<hbm>> -> memref<632x128xf32, #tpu.memory_space<hbm>>
      %dma_start3A_66 = arith.constant 0 : i32
      %dma_start3A_67 = tpu.memref_slice %arg10[%mul3A_0, %dma_start3A_66] : memref<10112x128xf32, #tpu.memory_space<vmem_shared>> -> memref<632x128xf32, #tpu.memory_space<vmem_shared>>
      tpu.enqueue_dma source(%dma_start3A_67 : memref<632x128xf32, #tpu.memory_space<vmem_shared>>) target(%dma_start3A_65 : memref<632x128xf32, #tpu.memory_space<hbm>>) target_semaphore(%run_scoped3A : memref<!tpu.dma_semaphore, #tpu.memory_space<semaphore_mem>>)
      %dma_wait3A_68 = arith.constant 0 : i32
      %dma_wait3A_69 = tpu.memref_slice %arg6[%arg0, %mul3A_0, %dma_wait3A_68] : memref<2x10112x128xf32, #tpu.memory_space<hbm>> -> memref<1x632x128xf32, #tpu.memory_space<hbm>>
      %dma_wait3A_70 = tpu.memref_squeeze %dma_wait3A_69 : memref<1x632x128xf32, #tpu.memory_space<hbm>> -> memref<632x128xf32, #tpu.memory_space<hbm>>
      %dma_wait3A_71 = arith.constant 0 : i32
      %dma_wait3A_72 = tpu.memref_slice %arg10[%mul3A_0, %dma_wait3A_71] : memref<10112x128xf32, #tpu.memory_space<vmem_shared>> -> memref<632x128xf32, #tpu.memory_space<vmem_shared>>
      tpu.wait_dma2 semaphore(%run_scoped3A : memref<!tpu.dma_semaphore, #tpu.memory_space<semaphore_mem>>) src(%dma_wait3A_72 : memref<632x128xf32, #tpu.memory_space<vmem_shared>>) dst(%dma_wait3A_70 : memref<632x128xf32, #tpu.memory_space<hbm>>)
      tpu.yield
    }) : () -> ()
    return
  }
}

module attributes {stable_mosaic.version = 14 : i64} {
  func.func @_tc_prep_body(%arg0: i32, %arg1: memref<1x1000x128xf32, #tpu.memory_space<vmem>>, %arg2: memref<1x1000x128xf32, #tpu.memory_space<vmem>>, %arg3: memref<1000x128xf32, #tpu.memory_space<vmem>>, %arg4: memref<1000x128xf32, #tpu.memory_space<vmem>>, %arg5: memref<1000x128xf32, #tpu.memory_space<vmem>>, %arg6: memref<1000x128xf32, #tpu.memory_space<vmem>>, %arg7: memref<1000x128xf32, #tpu.memory_space<vmem>>) attributes {dimension_semantics = [#tpu.dimension_semantics<arbitrary>], iteration_bounds = array<i64: 10>, scalar_prefetch = 0 : i64, scratch_operands = 0 : i64, tpu.core_type = #tpu.core_type<tc>, window_params = [{transform_indices = @transform_0, window_bounds = array<i64: 1, 1000, 128>}, {transform_indices = @transform_1, window_bounds = array<i64: 1, 1000, 128>}, {transform_indices = @transform_2, window_bounds = array<i64: 1000, 128>}, {transform_indices = @transform_3, window_bounds = array<i64: 1000, 128>}, {transform_indices = @transform_4, window_bounds = array<i64: 1000, 128>}, {transform_indices = @transform_5, window_bounds = array<i64: 1000, 128>}, {transform_indices = @transform_6, window_bounds = array<i64: 1000, 128>}]} {
    %get3A = arith.constant 0 : index
    %get3A_0 = arith.constant 0 : index
    %get3A_1 = arith.constant 0 : index
    %get3A_2 = vector.load %arg1[%get3A, %get3A_0, %get3A_1] : memref<1x1000x128xf32, #tpu.memory_space<vmem>>, vector<1x1000x1xf32>
    %get3A_3 = vector.shape_cast %get3A_2 : vector<1x1000x1xf32> to vector<1000x1xf32>
    %get3A_4 = arith.constant 0 : index
    %get3A_5 = arith.constant 0 : index
    %get3A_6 = arith.constant 0 : index
    %get3A_7 = vector.load %arg2[%get3A_4, %get3A_5, %get3A_6] : memref<1x1000x128xf32, #tpu.memory_space<vmem>>, vector<1x1000x1xf32>
    %get3A_8 = vector.shape_cast %get3A_7 : vector<1x1000x1xf32> to vector<1000x1xf32>
    %add3A = arith.addf %get3A_3, %get3A_8 : vector<1000x1xf32>
    %max3A = arith.constant 1.000000e+00 : f32
    %max3A_9 = vector.broadcast %max3A : f32 to vector<1000x1xf32>
    %max3A_10 = arith.maximumf %add3A, %max3A_9 : vector<1000x1xf32>
    %rsqrt3A = math.rsqrt %max3A_10 : vector<1000x1xf32>
    %add3A_11 = arith.constant 1.000000e+00 : f32
    %add3A_12 = vector.broadcast %add3A_11 : f32 to vector<1000x1xf32>
    %add3A_13 = arith.addf %max3A_10, %add3A_12 : vector<1000x1xf32>
    %div3A = arith.constant 1.000000e+00 : f32
    %div3A_14 = vector.broadcast %div3A : f32 to vector<1000x1xf32>
    %div3A_15 = arith.divf %div3A_14, %add3A_13 : vector<1000x1xf32>
    %broadcast_in_dim3A = vector.shape_cast %rsqrt3A : vector<1000x1xf32> to vector<1000x1xf32>
    %broadcast_in_dim3A_16 = vector.broadcast %broadcast_in_dim3A : vector<1000x1xf32> to vector<1000x128xf32>
    %broadcast_in_dim3A_17 = vector.shape_cast %div3A_15 : vector<1000x1xf32> to vector<1000x1xf32>
    %broadcast_in_dim3A_18 = vector.broadcast %broadcast_in_dim3A_17 : vector<1000x1xf32> to vector<1000x128xf32>
    %get3A_19 = arith.constant 0 : index
    %get3A_20 = arith.constant 0 : index
    %get3A_21 = vector.load %arg3[%get3A_19, %get3A_20] : memref<1000x128xf32, #tpu.memory_space<vmem>>, vector<1000x128xf32>
    %swap3A = arith.constant 0 : index
    %swap3A_22 = arith.constant 0 : index
    %swap3A_23 = vector.load %arg4[%swap3A, %swap3A_22] : memref<1000x128xf32, #tpu.memory_space<vmem>>, vector<1000x128xf32>
    tpu.vector_store %arg4[%swap3A, %swap3A_22], %broadcast_in_dim3A_16 {strides = array<i32>} : memref<1000x128xf32, #tpu.memory_space<vmem>>, vector<1000x128xf32>,
    %swap3A_24 = arith.constant 0 : index
    %swap3A_25 = arith.constant 0 : index
    %swap3A_26 = vector.load %arg5[%swap3A_24, %swap3A_25] : memref<1000x128xf32, #tpu.memory_space<vmem>>, vector<1000x128xf32>
    tpu.vector_store %arg5[%swap3A_24, %swap3A_25], %broadcast_in_dim3A_18 {strides = array<i32>} : memref<1000x128xf32, #tpu.memory_space<vmem>>, vector<1000x128xf32>,
    %mul3A = arith.mulf %get3A_21, %broadcast_in_dim3A_16 : vector<1000x128xf32>
    %swap3A_27 = arith.constant 0 : index
    %swap3A_28 = arith.constant 0 : index
    %swap3A_29 = vector.load %arg6[%swap3A_27, %swap3A_28] : memref<1000x128xf32, #tpu.memory_space<vmem>>, vector<1000x128xf32>
    tpu.vector_store %arg6[%swap3A_27, %swap3A_28], %mul3A {strides = array<i32>} : memref<1000x128xf32, #tpu.memory_space<vmem>>, vector<1000x128xf32>,
    %mul3A_30 = arith.mulf %get3A_21, %broadcast_in_dim3A_18 : vector<1000x128xf32>
    %swap3A_31 = arith.constant 0 : index
    %swap3A_32 = arith.constant 0 : index
    %swap3A_33 = vector.load %arg7[%swap3A_31, %swap3A_32] : memref<1000x128xf32, #tpu.memory_space<vmem>>, vector<1000x128xf32>
    tpu.vector_store %arg7[%swap3A_31, %swap3A_32], %mul3A_30 {strides = array<i32>} : memref<1000x128xf32, #tpu.memory_space<vmem>>, vector<1000x128xf32>,
    return
  }
  func.func @transform_0(%arg0: i32) -> (i32, i32, i32) {
    %c0_i32 = arith.constant 0 : i32
    %c0_i32_0 = arith.constant 0 : i32
    %c0_i32_1 = arith.constant 0 : i32
    return %c0_i32, %arg0, %c0_i32_0 : i32, i32, i32
  }
  func.func @transform_1(%arg0: i32) -> (i32, i32, i32) {
    %c1_i32 = arith.constant 1 : i32
    %c0_i32 = arith.constant 0 : i32
    %c0_i32_0 = arith.constant 0 : i32
    return %c1_i32, %arg0, %c0_i32 : i32, i32, i32
  }
  func.func @transform_2(%arg0: i32) -> (i32, i32) {
    %c0_i32 = arith.constant 0 : i32
    %c0_i32_0 = arith.constant 0 : i32
    return %arg0, %c0_i32 : i32, i32
  }
  func.func @transform_3(%arg0: i32) -> (i32, i32) {
    %c0_i32 = arith.constant 0 : i32
    %c0_i32_0 = arith.constant 0 : i32
    return %arg0, %c0_i32 : i32, i32
  }
  func.func @transform_4(%arg0: i32) -> (i32, i32) {
    %c0_i32 = arith.constant 0 : i32
    %c0_i32_0 = arith.constant 0 : i32
    return %arg0, %c0_i32 : i32, i32
  }
  func.func @transform_5(%arg0: i32) -> (i32, i32) {
    %c0_i32 = arith.constant 0 : i32
    %c0_i32_0 = arith.constant 0 : i32
    return %arg0, %c0_i32 : i32, i32
  }
  func.func @transform_6(%arg0: i32) -> (i32, i32) {
    %c0_i32 = arith.constant 0 : i32
    %c0_i32_0 = arith.constant 0 : i32
    return %arg0, %c0_i32 : i32, i32
  }
}

module attributes {stable_mosaic.version = 14 : i64} {
  func.func @_tc_combine_body(%arg0: i32, %arg1: memref<1x1000x128xf32, #tpu.memory_space<vmem>>, %arg2: memref<1x1000x128xf32, #tpu.memory_space<vmem>>, %arg3: memref<1000x128xf32, #tpu.memory_space<vmem>>, %arg4: memref<1000x128xf32, #tpu.memory_space<vmem>>, %arg5: memref<1000x128xf32, #tpu.memory_space<vmem>>, %arg6: memref<1000x128xf32, #tpu.memory_space<vmem>>, %arg7: memref<1000x128xf32, #tpu.memory_space<vmem>>) attributes {dimension_semantics = [#tpu.dimension_semantics<arbitrary>], iteration_bounds = array<i64: 10>, scalar_prefetch = 0 : i64, scratch_operands = 0 : i64, tpu.core_type = #tpu.core_type<tc>, window_params = [{transform_indices = @transform_0, window_bounds = array<i64: 1, 1000, 128>}, {transform_indices = @transform_1, window_bounds = array<i64: 1, 1000, 128>}, {transform_indices = @transform_2, window_bounds = array<i64: 1000, 128>}, {transform_indices = @transform_3, window_bounds = array<i64: 1000, 128>}, {transform_indices = @transform_4, window_bounds = array<i64: 1000, 128>}, {transform_indices = @transform_5, window_bounds = array<i64: 1000, 128>}, {transform_indices = @transform_6, window_bounds = array<i64: 1000, 128>}]} {
    %get3A = arith.constant 0 : index
    %get3A_0 = arith.constant 0 : index
    %get3A_1 = arith.constant 0 : index
    %get3A_2 = vector.load %arg1[%get3A, %get3A_0, %get3A_1] : memref<1x1000x128xf32, #tpu.memory_space<vmem>>, vector<1x1000x128xf32>
    %get3A_3 = vector.shape_cast %get3A_2 : vector<1x1000x128xf32> to vector<1000x128xf32>
    %get3A_4 = arith.constant 0 : index
    %get3A_5 = arith.constant 0 : index
    %get3A_6 = arith.constant 0 : index
    %get3A_7 = vector.load %arg2[%get3A_4, %get3A_5, %get3A_6] : memref<1x1000x128xf32, #tpu.memory_space<vmem>>, vector<1x1000x128xf32>
    %get3A_8 = vector.shape_cast %get3A_7 : vector<1x1000x128xf32> to vector<1000x128xf32>
    %add3A = arith.addf %get3A_3, %get3A_8 : vector<1000x128xf32>
    %get3A_9 = arith.constant 0 : index
    %get3A_10 = arith.constant 0 : index
    %get3A_11 = vector.load %arg3[%get3A_9, %get3A_10] : memref<1000x128xf32, #tpu.memory_space<vmem>>, vector<1000x128xf32>
    %mul3A = arith.mulf %add3A, %get3A_11 : vector<1000x128xf32>
    %get3A_12 = arith.constant 0 : index
    %get3A_13 = arith.constant 0 : index
    %get3A_14 = vector.load %arg5[%get3A_12, %get3A_13] : memref<1000x128xf32, #tpu.memory_space<vmem>>, vector<1000x128xf32>
    %add3A_15 = arith.addf %mul3A, %get3A_14 : vector<1000x128xf32>
    %mul3A_16 = arith.mulf %add3A_15, %get3A_11 : vector<1000x128xf32>
    %swap3A = arith.constant 0 : index
    %swap3A_17 = arith.constant 0 : index
    %swap3A_18 = vector.load %arg6[%swap3A, %swap3A_17] : memref<1000x128xf32, #tpu.memory_space<vmem>>, vector<1000x128xf32>
    tpu.vector_store %arg6[%swap3A, %swap3A_17], %mul3A_16 {strides = array<i32>} : memref<1000x128xf32, #tpu.memory_space<vmem>>, vector<1000x128xf32>,
    %get3A_19 = arith.constant 0 : index
    %get3A_20 = arith.constant 0 : index
    %get3A_21 = vector.load %arg4[%get3A_19, %get3A_20] : memref<1000x128xf32, #tpu.memory_space<vmem>>, vector<1000x128xf32>
    %mul3A_22 = arith.mulf %add3A_15, %get3A_21 : vector<1000x128xf32>
    %swap3A_23 = arith.constant 0 : index
    %swap3A_24 = arith.constant 0 : index
    %swap3A_25 = vector.load %arg7[%swap3A_23, %swap3A_24] : memref<1000x128xf32, #tpu.memory_space<vmem>>, vector<1000x128xf32>
    tpu.vector_store %arg7[%swap3A_23, %swap3A_24], %mul3A_22 {strides = array<i32>} : memref<1000x128xf32, #tpu.memory_space<vmem>>, vector<1000x128xf32>,
    return
  }
  func.func @transform_0(%arg0: i32) -> (i32, i32, i32) {
    %c0_i32 = arith.constant 0 : i32
    %c0_i32_0 = arith.constant 0 : i32
    %c0_i32_1 = arith.constant 0 : i32
    return %c0_i32, %arg0, %c0_i32_0 : i32, i32, i32
  }
  func.func @transform_1(%arg0: i32) -> (i32, i32, i32) {
    %c1_i32 = arith.constant 1 : i32
    %c0_i32 = arith.constant 0 : i32
    %c0_i32_0 = arith.constant 0 : i32
    return %c1_i32, %arg0, %c0_i32 : i32, i32, i32
  }
  func.func @transform_2(%arg0: i32) -> (i32, i32) {
    %c0_i32 = arith.constant 0 : i32
    %c0_i32_0 = arith.constant 0 : i32
    return %arg0, %c0_i32 : i32, i32
  }
  func.func @transform_3(%arg0: i32) -> (i32, i32) {
    %c0_i32 = arith.constant 0 : i32
    %c0_i32_0 = arith.constant 0 : i32
    return %arg0, %c0_i32 : i32, i32
  }
  func.func @transform_4(%arg0: i32) -> (i32, i32) {
    %c0_i32 = arith.constant 0 : i32
    %c0_i32_0 = arith.constant 0 : i32
    return %arg0, %c0_i32 : i32, i32
  }
  func.func @transform_5(%arg0: i32) -> (i32, i32) {
    %c0_i32 = arith.constant 0 : i32
    %c0_i32_0 = arith.constant 0 : i32
    return %arg0, %c0_i32 : i32, i32
  }
  func.func @transform_6(%arg0: i32) -> (i32, i32) {
    %c0_i32 = arith.constant 0 : i32
    %c0_i32_0 = arith.constant 0 : i32
    return %arg0, %c0_i32 : i32, i32
  }
}

module attributes {stable_mosaic.version = 14 : i64} {
  func.func @_tc_final_body(%arg0: i32, %arg1: memref<1x1000x128xf32, #tpu.memory_space<vmem>>, %arg2: memref<1x1000x128xf32, #tpu.memory_space<vmem>>, %arg3: memref<1000x128xf32, #tpu.memory_space<vmem>>, %arg4: memref<1000x128xf32, #tpu.memory_space<vmem>>, %arg5: memref<128x128xf32, #tpu.memory_space<vmem>>, %arg6: memref<1x128xf32, #tpu.memory_space<vmem>>, %arg7: memref<1000x128xf32, #tpu.memory_space<vmem>>) attributes {dimension_semantics = [#tpu.dimension_semantics<arbitrary>], iteration_bounds = array<i64: 10>, scalar_prefetch = 0 : i64, scratch_operands = 0 : i64, tpu.core_type = #tpu.core_type<tc>, window_params = [{transform_indices = @transform_0, window_bounds = array<i64: 1, 1000, 128>}, {transform_indices = @transform_1, window_bounds = array<i64: 1, 1000, 128>}, {transform_indices = @transform_2, window_bounds = array<i64: 1000, 128>}, {transform_indices = @transform_3, window_bounds = array<i64: 1000, 128>}, {pipeline_mode = #tpu.pipeline_mode<synchronous>, transform_indices = @transform_4, window_bounds = array<i64: 128, 128>}, {pipeline_mode = #tpu.pipeline_mode<synchronous>, transform_indices = @transform_5, window_bounds = array<i64: 1, 128>}, {transform_indices = @transform_6, window_bounds = array<i64: 1000, 128>}]} {
    %get3A = arith.constant 0 : index
    %get3A_0 = arith.constant 0 : index
    %get3A_1 = arith.constant 0 : index
    %get3A_2 = vector.load %arg1[%get3A, %get3A_0, %get3A_1] : memref<1x1000x128xf32, #tpu.memory_space<vmem>>, vector<1x1000x128xf32>
    %get3A_3 = vector.shape_cast %get3A_2 : vector<1x1000x128xf32> to vector<1000x128xf32>
    %get3A_4 = arith.constant 0 : index
    %get3A_5 = arith.constant 0 : index
    %get3A_6 = arith.constant 0 : index
    %get3A_7 = vector.load %arg2[%get3A_4, %get3A_5, %get3A_6] : memref<1x1000x128xf32, #tpu.memory_space<vmem>>, vector<1x1000x128xf32>
    %get3A_8 = vector.shape_cast %get3A_7 : vector<1x1000x128xf32> to vector<1000x128xf32>
    %add3A = arith.addf %get3A_3, %get3A_8 : vector<1000x128xf32>
    %get3A_9 = arith.constant 0 : index
    %get3A_10 = arith.constant 0 : index
    %get3A_11 = vector.load %arg3[%get3A_9, %get3A_10] : memref<1000x128xf32, #tpu.memory_space<vmem>>, vector<1000x128xf32>
    %mul3A = arith.mulf %add3A, %get3A_11 : vector<1000x128xf32>
    %get3A_12 = arith.constant 0 : index
    %get3A_13 = arith.constant 0 : index
    %get3A_14 = vector.load %arg4[%get3A_12, %get3A_13] : memref<1000x128xf32, #tpu.memory_space<vmem>>, vector<1000x128xf32>
    %add3A_15 = arith.addf %mul3A, %get3A_14 : vector<1000x128xf32>
    %get3A_16 = arith.constant 0 : index
    %get3A_17 = arith.constant 0 : index
    %get3A_18 = vector.load %arg5[%get3A_16, %get3A_17] : memref<128x128xf32, #tpu.memory_space<vmem>>, vector<128x128xf32>
    %dot_general3A = arith.constant dense<0.000000e+00> : vector<1000x128xf32>
    %dot_general3A_19 = tpu.matmul %add3A_15, %get3A_18, %dot_general3A {dimension_numbers = #tpu.dot_dimension_numbers<[1], [0], [0], [1], [0, 0, 1, 1], [], []>, transpose_lhs_hint = false} : vector<1000x128xf32>, vector<128x128xf32>, vector<1000x128xf32> -> vector<1000x128xf32>
    %get3A_20 = arith.constant 0 : index
    %get3A_21 = arith.constant 0 : index
    %get3A_22 = vector.load %arg6[%get3A_20, %get3A_21] : memref<1x128xf32, #tpu.memory_space<vmem>>, vector<1x128xf32>
    %add3A_23 = vector.broadcast %get3A_22 : vector<1x128xf32> to vector<1000x128xf32>
    %add3A_24 = arith.addf %dot_general3A_19, %add3A_23 : vector<1000x128xf32>
    %swap3A = arith.constant 0 : index
    %swap3A_25 = arith.constant 0 : index
    %swap3A_26 = vector.load %arg7[%swap3A, %swap3A_25] : memref<1000x128xf32, #tpu.memory_space<vmem>>, vector<1000x128xf32>
    tpu.vector_store %arg7[%swap3A, %swap3A_25], %add3A_24 {strides = array<i32>} : memref<1000x128xf32, #tpu.memory_space<vmem>>, vector<1000x128xf32>,
    return
  }
  func.func @transform_0(%arg0: i32) -> (i32, i32, i32) {
    %c0_i32 = arith.constant 0 : i32
    %c0_i32_0 = arith.constant 0 : i32
    %c0_i32_1 = arith.constant 0 : i32
    return %c0_i32, %arg0, %c0_i32_0 : i32, i32, i32
  }
  func.func @transform_1(%arg0: i32) -> (i32, i32, i32) {
    %c1_i32 = arith.constant 1 : i32
    %c0_i32 = arith.constant 0 : i32
    %c0_i32_0 = arith.constant 0 : i32
    return %c1_i32, %arg0, %c0_i32 : i32, i32, i32
  }
  func.func @transform_2(%arg0: i32) -> (i32, i32) {
    %c0_i32 = arith.constant 0 : i32
    %c0_i32_0 = arith.constant 0 : i32
    return %arg0, %c0_i32 : i32, i32
  }
  func.func @transform_3(%arg0: i32) -> (i32, i32) {
    %c0_i32 = arith.constant 0 : i32
    %c0_i32_0 = arith.constant 0 : i32
    return %arg0, %c0_i32 : i32, i32
  }
  func.func @transform_4(%arg0: i32) -> (i32, i32) {
    %c0_i32 = arith.constant 0 : i32
    %c0_i32_0 = arith.constant 0 : i32
    %c0_i32_1 = arith.constant 0 : i32
    return %c0_i32, %c0_i32_0 : i32, i32
  }
  func.func @transform_5(%arg0: i32) -> (i32, i32) {
    %c0_i32 = arith.constant 0 : i32
    %c0_i32_0 = arith.constant 0 : i32
    %c0_i32_1 = arith.constant 0 : i32
    return %c0_i32, %c0_i32_0 : i32, i32
  }
  func.func @transform_6(%arg0: i32) -> (i32, i32) {
    %c0_i32 = arith.constant 0 : i32
    %c0_i32_0 = arith.constant 0 : i32
    return %arg0, %c0_i32 : i32, i32
  }
}

</mosaic_0001>

<sc_bundles>
// kernel: kernel.11.cloned.1.call-start
scs
__scs_entry_jumppad:
0x0: {  	(pc) =	sbr.rel $0x88, $3  }
0x1: {  	(tag) =	ssettag $0x0;
	lr =	simm.s32 $0x1  }
0x2: {  	[smem:$0x3F9D] =	sst lr;
	_ =	strace $0xD0000000  }
0x3: {  	_ = 	snop  }
0x4: {  	_ = 	snop  }
0x5: {  	_ = 	snop  }
0x6: {  	_ = 	snop  }
0x7: {  	_ = 	snop  }
__scs_overlays_trampoline_lowered:
0x8: {  	[smem:$0x3FAC] =	sst s0  }
0x9: {  	[smem:$0x3FAD] =	sst s1  }
0xa: {  	[smem:$0x3FAE] =	sst s2  }
0xb: {  	[smem:$0x3FAF] =	sst s3  }
0xc: {  	[smem:$0x3FB0] =	sst s4  }
0xd: {  	[smem:$0x3FB1] =	sst s5  }
0xe: {  	[smem:$0x3FB2] =	sst s6  }
0xf: {  	[smem:$0x3FB3] =	sst s7  }
0x10: {  	[smem:$0x3FB4] =	sst s8  }
0x11: {  	[smem:$0x3FB5] =	sst s9;
	s0 =	simm.s32 @!p0 $0x0  }
0x12: {  	s1 =	sld [smem:$0x3F9B];
	s0 =	simm.s32 @p0 $0x1  }
0x13: {  	[smem:$0x3FB6] =	sst s0;
	s0 =	simm.s32 @!p1 $0x0  }
0x14: {  	s2 =	sld [smem:$0x3F9A];
	s0 =	simm.s32 @p1 $0x1  }
0x15: {  	[smem:$0x3FB7] =	sst s0;
	s0 =	simm.s32 @!p2 $0x0  }
0x16: {  	s3 =	sld [smem:$0x3FDB];
	s0 =	simm.s32 @p2 $0x1  }
0x17: {  	s4 =	simm.s32 $0x1BF5;
	[smem:$0x3FB9] =	sst s0  }
0x18: {  	s0 =	sld [smem:$0x3F9C];
	_ =	swait.ge [sflag:s4], $0x0  }
0x19: {  	s7 =	sld [smem:$0x3F9D]  }
0x1a: {  	s8 =	sadd.s32 $0xFFFFE003, lr  }
0x1b: {  	s9 =	sadd.s32 $0xFFFFFEF7, lr;
	s5 =	simm.s32 $0xFFFFFFFF;
	p2 =	slt.u32 s8, $0xFFFFF086  }
0x1c: {  	p1 =	slt.u32 s9, $0xF7A;
	s5 =	simm.s32 @!p2 $0x0  }
0x1d: {  	s5 =	simm.s32 @p1 $0x1;
	p0 =	seq.s32 s7, s2  }
0x1e: {  	s7 =	smul.u32 @!p0 $0xF7A, s2;
	p2 =	seq.s32 @!p0 s5, $0x0  }
0x1f: {  	s9 =	smul.u32 $0xF7A, s1;
	s8 =	simm.s32 @!p0 $0x1BF5;
	p2 =	por !p2, p0  }
0x20: {  	[sflag:s8] =	ssyncset.s32 @!p0 $0xFFFFF086;
	s6 =	sadd.s32 @!p0 s3, s7;
	s7 =	simm.s32 @!p0 $0x108  }
0x21: {  	s3 =	sadd.s32 s3, s9;
	s6 =	sadd.s32 @!p0 $0x88, s6;
	s7 =	simm.s32 @p2 $0x1082  }
0x22: {  	[simem:s7], [sflag:s8] =	dma.local @!p0 [hbm:s6], $0xF7A  }
0x23: {  	s9 =	sor.u32 $0xD0000000, s2;
	s6 =	simm.s32 $0x108;
	_ =	swait.ge @!p0 [sflag:s8], $0x0  }
0x24: {  	s3 =	sadd.s32 $0x88, s3;
	s6 =	simm.s32 @!p1 $0x1082;
	[sflag:s4] =	ssyncset.s32 $0xFFFFF086  }
0x25: {  	[simem:s6], [sflag:s4] =	dma.local [hbm:s3], $0xF7A  }
0x26: {  	[smem:$0x3F9D] =	sst s1;
	(tag) =	ssettag s2;
	_ =	strace s9  }
0x27: {  	s1 =	sld [smem:$0x3FAD]  }
0x28: {  	s2 =	sld [smem:$0x3FAE]  }
0x29: {  	s4 =	sld [smem:$0x3FB0]  }
0x2a: {  	p0 =	seq.s32 s5, $0x0;
	s5 =	sld [smem:$0x3FB1]  }
0x2b: {  	s6 =	sld [smem:$0x3FB2]  }
0x2c: {  	s7 =	sld [smem:$0x3FB3]  }
0x2d: {  	s3 =	simm.s32 $0x108;
	s8 =	sld [smem:$0x3FB4]  }
0x2e: {  	s3 =	simm.s32 @!p0 $0x1082;
	s9 =	sld [smem:$0x3FB5]  }
0x2f: {  	lr =	sadd.s32 s0, s3;
	s0 =	sld [smem:$0x3FAC]  }
0x30: {  	s3 =	sld [smem:$0x3FAF]  }
0x31: {  	[smem:$0x3FB8] =	sst s10  }
0x32: {  	s10 =	sld [smem:$0x3FB6];
	_ =	sdelay $0x3  }
0x33: {  	p0 =	seq.s32 s10, $0x1;
	s10 =	sld [smem:$0x3FB8];
	_ =	sdelay $0x3  }
0x34: {  	[smem:$0x3FB8] =	sst s10  }
0x35: {  	s10 =	sld [smem:$0x3FB7];
	_ =	sdelay $0x3  }
0x36: {  	p1 =	seq.s32 s10, $0x1;
	s10 =	sld [smem:$0x3FB8];
	_ =	sdelay $0x3  }
0x37: {  	[smem:$0x3FB8] =	sst s10  }
0x38: {  	s10 =	sld [smem:$0x3FB9]  }
0x39: {  	_ = 	snop;
	(pc) =	sbr.ind lr, $3  }
0x3a: {  	_ = 	snop  }
0x3b: {  	_ = 	snop  }
0x3c: {  	p2 =	seq.s32 s10, $0x1;
	s10 =	sld [smem:$0x3FB8]  }
0x3d: {  	_ =	shalt  }
0x3e: {  	_ =	shalt  }
0x3f: {  	_ =	shalt  }
0x40: {  	_ =	shalt  }
0x41: {  	_ =	shalt  }
0x42: {  	_ =	shalt  }
0x43: {  	_ =	shalt  }
0x44: {  	_ =	shalt  }
0x45: {  	_ =	shalt  }
0x46: {  	_ =	shalt  }
0x47: {  	_ =	shalt  }
0x48: {  	_ =	shalt  }
0x49: {  	_ =	shalt  }
0x4a: {  	_ =	shalt  }
0x4b: {  	_ =	shalt  }
0x4c: {  	_ =	shalt  }
0x4d: {  	_ =	shalt  }
0x4e: {  	_ =	shalt  }
0x4f: {  	_ =	shalt  }
0x50: {  	_ =	shalt  }
0x51: {  	_ =	shalt  }
0x52: {  	_ =	shalt  }
0x53: {  	_ =	shalt  }
0x54: {  	_ =	shalt  }
0x55: {  	_ =	shalt  }
0x56: {  	_ =	shalt  }
0x57: {  	_ =	shalt  }
0x58: {  	_ =	shalt  }
0x59: {  	_ =	shalt  }
0x5a: {  	_ =	shalt  }
0x5b: {  	_ =	shalt  }
0x5c: {  	_ =	shalt  }
0x5d: {  	_ =	shalt  }
0x5e: {  	_ =	shalt  }
0x5f: {  	_ =	shalt  }
0x60: {  	_ =	shalt  }
0x61: {  	_ =	shalt  }
0x62: {  	_ =	shalt  }
0x63: {  	_ =	shalt  }
0x64: {  	_ =	shalt  }
0x65: {  	_ =	shalt  }
0x66: {  	_ =	shalt  }
0x67: {  	_ =	shalt  }
0x68: {  	_ =	shalt  }
0x69: {  	_ =	shalt  }
0x6a: {  	_ =	shalt  }
0x6b: {  	_ =	shalt  }
0x6c: {  	_ =	shalt  }
0x6d: {  	_ =	shalt  }
0x6e: {  	_ =	shalt  }
0x6f: {  	_ =	shalt  }
0x70: {  	_ =	shalt  }
0x71: {  	_ =	shalt  }
0x72: {  	_ =	shalt  }
0x73: {  	_ =	shalt  }
0x74: {  	_ =	shalt  }
0x75: {  	_ =	shalt  }
0x76: {  	_ =	shalt  }
0x77: {  	_ =	shalt  }
0x78: {  	_ =	shalt  }
0x79: {  	_ =	shalt  }
0x7a: {  	_ =	shalt  }
0x7b: {  	_ =	shalt  }
0x7c: {  	_ =	shalt  }
0x7d: {  	_ =	shalt  }
0x7e: {  	_ =	shalt  }
0x7f: {  	_ =	shalt  }
0x80: {  	_ =	shalt  }
0x81: {  	_ =	shalt  }
0x82: {  	_ =	shalt  }
0x83: {  	_ =	shalt  }
0x84: {  	_ =	shalt  }
0x85: {  	_ =	shalt  }
0x86: {  	_ =	shalt  }
0x87: {  	_ =	shalt  }
.Lfunc_end0:
.L_simem_size_0:
called_computation.1_lowered:
.L_overlay_start_0:
0x88: {  	s2 =	sld [smem:$0x3FD9]  }
0x89: {  	s3 =	sld [smem:$0x3FFE];
	_ =	sdelay $0x1  }
0x8a: {  	s1 =	srdreg.scid  }
0x8b: {  	s0 =	sand.u32 $0x1, s1  }
0x8c: {  	s17 =	sshll.u32 s0, $0xA;
	s2 =	sadd.s32 s3, s2  }
0x8d: {  	s2 =	sadd.s32 s2, s17  }
0x8e: {  	[smem:$0x3FC4] =	sst s2  }
0x8f: {  	_ = 	snop  }
0x90: {  	s2 =	sld [smem:$0x3FD0];
	(tm) =	ssettm $0x1  }
0x91: {  	s18 =	sld [smem:$0x3FFB];
	_ =	sdelay $0x3  }
0x92: {  	_ =	strace s18  }
0x93: {  	s3 =	sld [smem:$0x3FFC];
	_ =	sdelay $0x3  }
0x94: {  	_ =	strace s3  }
0x95: {  	s3 =	sld [smem:$0x3FFD];
	_ =	sdelay $0x3  }
0x96: {  	_ =	strace s3  }
0x97: {  	_ =	strace $0x8FFFFFFF  }
0x98: {  	s19 =	sld [smem:$0x3FDB];
	_ =	sdelay $0x1  }
0x99: {  	s4 =	simm.s32 $_scs_section_size  }
0x9a: {  	s5 =	simm.s32 $_size__tile_overlayer_lowered;
	s6 =	simm.s32 $_tile_overlayer_lowered  }
0x9b: {  	s22 =	simm.s32 $0x1BFF;
	s21 =	sshll.u32 s6, $0x1;
	s3 =	sadd.s32 s4, s19  }
0x9c: {  	s7 =	simm.s32 $0x0;
	s20 =	sshll.u32 s5, $0x1;
	s5 =	sadd.s32 s21, s3  }
0x9d: {  	[timem:s7], [sflag:s22] =	dma.local [hbm:s5], s20  }
0x9e: {  	_ =	swait.ge [sflag:s22], s20  }
0x9f: {  	s4 =	ssub.s32 $0x0, s20;
	[sflag:s22] =	ssyncset.done $0x0  }
0xa0: {  	[sflag:s22] =	ssyncadd.s32 s4;
	_ =	sdelay $0x1  }
0xa1: {  	s23 =	simm.s32 $0x1B8B  }
0xa2: {  	_ =	swait.ge [sflag:s23], $0x1  }
0xa3: {  	[sflag:s23] =	ssyncset.done $0x0  }
0xa4: {  	s25 =	simm.s32 $0x1B8E;
	s24 =	sld [smem:$0x3FFE];
	[sflag:s23] =	ssyncadd.s32 $0xFFFFFFFF  }
0xa5: {  	s26 =	simm.s32 $execute0_lowered;
	[smem:$0x3FD2] =	sst s25  }
0xa6: {  	s5 =	sshll.u32 s26, $0x1;
	_ =	strace $0x80000049;
	[dreg:$0x1] =	wrdreg $0xFFFFFFFF  }
0xa7: {  	s28 =	simm.s32 $_size_execute0_lowered;
	s3 =	sadd.s32 s3, s5;
	[dreg:$0x0] =	wrdreg $0x0  }
0xa8: {  	s5 =	sshll.u32 s28, $0x1;
	[dreg:$0x2] =	wrdreg s3  }
0xa9: {  	[dreg:$0x3] =	wrdreg s5  }
0xaa: {  	[dreg:$0x4] =	wrdreg $0xC0  }
0xab: {  	_ =	task [dreg:s7], $0x5FFFF  }
0xac: {  	[dreg:$0x1] =	wrdreg $0xFFFFFFFF  }
0xad: {  	[dreg:$0x0] =	wrdreg $0x60  }
0xae: {  	[dreg:$0x2] =	wrdreg s2  }
0xaf: {  	[dreg:$0x3] =	wrdreg s24  }
0xb0: {  	[dreg:$0x4] =	wrdreg $0xC4000  }
0xb1: {  	[dreg:$0x5] =	wrdreg $0x9  }
0xb2: {  	_ =	task.clear_ibuf [dreg:s7], $0x6FFFF;
	_ =	strace $0x90000049  }
0xb3: {  	s29 =	simm.s32 $0x9;
	_ =	strace $0x8000004B  }
0xb4: {  	_ =	swait.ge [sflag:s29], $0x1  }
0xb5: {  	[sflag:s29] =	ssyncadd.s32 $0xFFFFFFFF  }
0xb6: {  	_ =	strace $0x9000004B  }
0xb7: {  	_ =	sfence  }
0xb8: {  	s30 =	sld [smem:$0x0];
	_ =	sdelay $0x2  }
0xb9: {  	s31 =	sshll.u32 s1, $0xD;
	s1 =	sshrl.u32 s1, $0x2  }
0xba: {  	s3 =	sand.u32 $0x4000, s31;
	s1 =	sadd.s32 s1, s30  }
0xbb: {  	s0 =	sor.u32 s3, s0;
	s1 =	sshll.u32 s1, $0x11  }
0xbc: {  	s0 =	sor.u32 s1, s0  }
0xbd: {  	s0 =	sadd.s32 $0x8F2B, s0  }
0xbe: {  	[sflag:s0] =	ssyncadd.remote.s32 $0x1  }
0xbf: {  	_ =	sfence.sel $0xFFFF  }
0xc0: {  	[dreg:$0x0] =	wrdreg $0xFFFFFFFF;
	(pc) =	sbr.abs _section_cstart, $3  }
0xc1: {  	[dreg:$0x1] =	wrdreg $0xFFFFFFFF  }
0xc2: {  	_ =	task.clear_ibuf [dreg:s7], $0x2FFFF;
	_ =	strace $0x9FFFFFFF  }
0xc3: {  	(tm) =	ssettm $0x7FFFFFFF  }
tec
execute0_lowered:
.L_overlay_start_1:
0x0: {  	(tag) =	ssettag $0x1  }
0x1: {  	s2 =	rddreg [dreg:$0x0]  }
0x2: {  	s5 =	rddreg [dreg:$0x1]  }
0x3: {  	s3 =	rddreg [dreg:$0x2]  }
0x4: {  	s4 =	srdreg.scid;
	s1 =	stileid.u32  }
0x5: {  	s0 =	rddreg [dreg:$0x3];
	s30 =	simm.s32 $0x4080;
	s31 =	simm.s32 $0x4100  }
0x6: {  	s16 =	simm.s32 $0x4180;
	s17 =	simm.s32 $0x4200;
	s18 =	simm.s32 $0x4280  }
0x7: {  	s19 =	simm.s32 $0x4300;
	s20 =	simm.s32 $0x4380;
	s6 =	sand.u32 $0x1, s4  }
0x8: {  	s22 =	sshll.u32 s1, $0x5;
	s4 =	simm.s32 $0x0;
	s23 =	smul.u32 $0x13C00, s1  }
0x9: {  	s7 =	sshll.u32 s1, $0x7;
	s10 =	smul.u32 $0x4F000, s1;
	[smem:$0x7FF] =	sst s4  }
0xa: {  	s28 =	sshll.u32 s1, $0x6;
	_ =	strace $0x8000004A;
	[dreg:$0x5] =	wrdreg s30  }
0xb: {  	p0 =	seq.s32 s6, $0x0;
	s8 =	sor.u32 $0x800, s22;
	[dreg:$0x6] =	wrdreg s31  }
0xc: {  	s9 =	smul.u32 $0x13C000, s6;
	s6 =	ssub.s32 $0x2, s6;
	[dreg:$0x7] =	wrdreg s16  }
0xd: {  	s8 =	smov.u32 @p0 s7;
	s24 =	sshrl.u32 s23, $0x3;
	[dreg:$0x8] =	wrdreg s17  }
0xe: {  	s25 =	sshrl.u32 s6, $0x1;
	s26 =	sshrl.u32 s10, $0x2;
	[dreg:$0x9] =	wrdreg s18  }
0xf: {  	s16 =	simm.s32 $0x4000;
	s17 =	simm.s32 $0x1;
	[dreg:$0xa] =	wrdreg s19  }
0x10: {  	s18 =	simm.s32 $0x2;
	s19 =	simm.s32 $0x8400;
	[dreg:$0xb] =	wrdreg s20  }
0x11: {  	s20 =	simm.s32 $0x0;
	s8 =	sshll.u32 s8, $0x4;
	s7 =	sadd.s32 s23, s9  }
0x12: {  	s13 =	ssub.s32 s6, s25;
	s6 =	simm.s32 $0x80;
	s14 =	sadd.s32 s26, s3  }
0x13: {  	s12 =	sadd.s32 s8, s5;
	s8 =	sadd.s32 s24, s5;
	s7 =	sshrl.u32 s7, $0x3  }
0x14: {  	s11 =	sadd.s32 s7, s5;
	s5 =	simm.s32 $0x80;
	s7 =	sadd.s32 $0x20800, s8  }
0x15: {  	s8 =	sor.u32 $0x1C03, s28;
	s9 =	sadd.s32 $0xBC00, s12;
	s5 =	simm.s32 @!p0 $0x20  }
0x16: {  	s12 =	sadd.s32 $0x16200, s12;
	s10 =	sadd.s32 $0x6F200, s11;
	s15 =	sshrl.u32 s5, $0x3  }
0x17: {  	s11 =	smax.u32 s13, $0x1;
	s13 =	sshrl.u32 s14, $0x3;
	s29 =	ssub.s32 $0x0, s15  }
0x18: {  	s14 =	simm.s32 $0x3;
	s15 =	simm.s32 $0x4400;
	[dreg:$0x4] =	wrdreg s29  }
.LBB2_1:
0x19: {  	[spmem:s13], [sflag:s8] =	dma.local [hbm:s7], $0x2780  }
0x1a: {  	_ =	swait.ge [sflag:s14], $0x2780  }
0x1b: {  	[sflag:s14] =	ssyncset.done $0x0  }
0x1c: {  	[sflag:s14] =	ssyncadd.s32 $0xFFFFD880  }
0x1d: {  	[tilespmem:s4], [sflag:$0x3] =	stream.linear.gather [hbm4b:s9+s4], $0x4000, $0x38;
	v63 =	vld [tilespmem:$0x0]  }
0x1e: {  	_ =	swait.ge [sflag:s14], $0x4000  }
0x1f: {  	[sflag:s14] =	ssyncset.done $0x0  }
0x20: {  	s21 =	simm.s32 $0x8;
	s22 =	simm.s32 $0x400;
	[sflag:s14] =	ssyncadd.s32 $0xFFFFC000  }
0x21: {  	s23 =	smov.u32 s12;
	s24 =	simm.s32 $0x0;
	[bflag:$0x0] =	sbarrier.arrive $0xFFFF  }
0x22: {  	[tilespmem:s15], [sflag:$0x1] =	stream.indirect.gather [hbm4b:s2+s6], $0x80, s4, s6, $0xb8;
	v63 =	vld [tilespmem:$0x0]  }
.LBB2_2:
0x23: {  	p0 =	seq.s32 s24, $0x0  }
0x24: {  	s25 =	simm.s32 @!p0 $0x2  }
0x25: {  	_ =	swait.ge @!p0 [sflag:s25], $0x4000  }
0x26: {  	[sflag:s25] =	ssyncset.done @!p0 $0x0  }
0x27: {  	[sflag:s25] =	ssyncadd.s32 @!p0 $0xFFFFC000  }
0x28: {  	[tilespmem:s16], [sflag:$0x3] =	stream.linear.gather [hbm4b:s23+s4], $0x400, $0x38;
	v63 =	vld [tilespmem:$0x0]  }
0x29: {  	_ =	swait.ge [sflag:s14], $0x400  }
0x2a: {  	[sflag:s14] =	ssyncset.done $0x0  }
0x2b: {  	s28 =	sadd.s32 $0xFFFFFFF9, s21;
	[sflag:s14] =	ssyncadd.s32 $0xFFFFFC00  }
0x2c: {  	p0 =	sge.u32 s28, s5;
	_ =	swait.ge [sflag:s17], $0x4000  }
0x2d: {  	s25 =	sadd.s32 @!p0 $0xFFFFFC80, s22;
	[sflag:s17] =	ssyncset.done $0x0  }
0x2e: {  	s26 =	simm.s32 @!p0 $0x80;
	s28 =	simm.s32 @!p0 $0x8400;
	[sflag:s17] =	ssyncadd.s32 $0xFFFFC000  }
0x2f: {  	[tilespmem:s28], [sflag:$0x1] =	stream.indirect.gather @!p0 [hbm4b:s2+s26], $0x80, s25, s26, $0xb8;
	v63 =	vld [tilespmem:$0x0]  }
0x30: {  	_ = 	snop  }
0x31: {  	[spmem:s3] =	stream.indirect.scatter.add.f32 [tilespmem:s15], [sflag:$0x2], $0x80, s16, s6, $0xb8;
	v63 =	vld [tilespmem:$0x0]  }
0x32: {  	_ =	swait.ge [sflag:s17], $0x4000  }
0x33: {  	[sflag:s17] =	ssyncset.done $0x0  }
0x34: {  	s29 =	sadd.s32 $0xFFFFFFFA, s21;
	[sflag:s17] =	ssyncadd.s32 $0xFFFFC000  }
0x35: {  	p0 =	sge.u32 s29, s5;
	_ =	swait.ge [sflag:s18], $0x4000  }
0x36: {  	s25 =	sadd.s32 @!p0 $0xFFFFFD00, s22;
	[sflag:s18] =	ssyncset.done $0x0  }
0x37: {  	s26 =	simm.s32 @!p0 $0x80;
	s28 =	simm.s32 @!p0 $0x4400;
	[sflag:s18] =	ssyncadd.s32 $0xFFFFC000  }
0x38: {  	[tilespmem:s28], [sflag:$0x1] =	stream.indirect.gather @!p0 [hbm4b:s2+s26], $0x80, s25, s26, $0xb8;
	v63 =	vld [tilespmem:$0x0]  }
0x39: {  	s29 =	rddreg [dreg:$0x5]  }
0x3a: {  	[spmem:s3] =	stream.indirect.scatter.add.f32 [tilespmem:s19], [sflag:$0x2], $0x80, s29, s6, $0xb8;
	v63 =	vld [tilespmem:$0x0]  }
0x3b: {  	_ =	swait.ge [sflag:s17], $0x4000  }
0x3c: {  	[sflag:s17] =	ssyncset.done $0x0  }
0x3d: {  	s30 =	sadd.s32 $0xFFFFFFFB, s21;
	[sflag:s17] =	ssyncadd.s32 $0xFFFFC000  }
0x3e: {  	p0 =	sge.u32 s30, s5;
	_ =	swait.ge [sflag:s18], $0x4000  }
0x3f: {  	s25 =	sadd.s32 @!p0 $0xFFFFFD80, s22;
	[sflag:s18] =	ssyncset.done $0x0  }
0x40: {  	s26 =	simm.s32 @!p0 $0x80;
	s28 =	simm.s32 @!p0 $0x8400;
	[sflag:s18] =	ssyncadd.s32 $0xFFFFC000  }
0x41: {  	[tilespmem:s28], [sflag:$0x1] =	stream.indirect.gather @!p0 [hbm4b:s2+s26], $0x80, s25, s26, $0xb8;
	v63 =	vld [tilespmem:$0x0]  }
0x42: {  	s31 =	rddreg [dreg:$0x6]  }
0x43: {  	[spmem:s3] =	stream.indirect.scatter.add.f32 [tilespmem:s15], [sflag:$0x2], $0x80, s31, s6, $0xb8;
	v63 =	vld [tilespmem:$0x0]  }
0x44: {  	_ =	swait.ge [sflag:s17], $0x4000  }
0x45: {  	[sflag:s17] =	ssyncset.done $0x0  }
0x46: {  	s30 =	sadd.s32 $0xFFFFFFFC, s21;
	[sflag:s17] =	ssyncadd.s32 $0xFFFFC000  }
0x47: {  	p0 =	sge.u32 s30, s5;
	_ =	swait.ge [sflag:s18], $0x4000  }
0x48: {  	s25 =	sadd.s32 @!p0 $0xFFFFFE00, s22;
	[sflag:s18] =	ssyncset.done $0x0  }
0x49: {  	s26 =	simm.s32 @!p0 $0x80;
	s28 =	simm.s32 @!p0 $0x4400;
	[sflag:s18] =	ssyncadd.s32 $0xFFFFC000  }
0x4a: {  	[tilespmem:s28], [sflag:$0x1] =	stream.indirect.gather @!p0 [hbm4b:s2+s26], $0x80, s25, s26, $0xb8;
	v63 =	vld [tilespmem:$0x0]  }
0x4b: {  	s31 =	rddreg [dreg:$0x7]  }
0x4c: {  	[spmem:s3] =	stream.indirect.scatter.add.f32 [tilespmem:s19], [sflag:$0x2], $0x80, s31, s6, $0xb8;
	v63 =	vld [tilespmem:$0x0]  }
0x4d: {  	_ =	swait.ge [sflag:s17], $0x4000  }
0x4e: {  	[sflag:s17] =	ssyncset.done $0x0  }
0x4f: {  	s30 =	sadd.s32 $0xFFFFFFFD, s21;
	[sflag:s17] =	ssyncadd.s32 $0xFFFFC000  }
0x50: {  	p0 =	sge.u32 s30, s5;
	_ =	swait.ge [sflag:s18], $0x4000  }
0x51: {  	s25 =	sadd.s32 @!p0 $0xFFFFFE80, s22;
	[sflag:s18] =	ssyncset.done $0x0  }
0x52: {  	s26 =	simm.s32 @!p0 $0x80;
	s28 =	simm.s32 @!p0 $0x8400;
	[sflag:s18] =	ssyncadd.s32 $0xFFFFC000  }
0x53: {  	[tilespmem:s28], [sflag:$0x1] =	stream.indirect.gather @!p0 [hbm4b:s2+s26], $0x80, s25, s26, $0xb8;
	v63 =	vld [tilespmem:$0x0]  }
0x54: {  	s31 =	rddreg [dreg:$0x8]  }
0x55: {  	[spmem:s3] =	stream.indirect.scatter.add.f32 [tilespmem:s15], [sflag:$0x2], $0x80, s31, s6, $0xb8;
	v63 =	vld [tilespmem:$0x0]  }
0x56: {  	_ =	swait.ge [sflag:s17], $0x4000  }
0x57: {  	[sflag:s17] =	ssyncset.done $0x0  }
0x58: {  	s30 =	sadd.s32 $0xFFFFFFFE, s21;
	[sflag:s17] =	ssyncadd.s32 $0xFFFFC000  }
0x59: {  	p0 =	sge.u32 s30, s5;
	_ =	swait.ge [sflag:s18], $0x4000  }
0x5a: {  	s25 =	sadd.s32 @!p0 $0xFFFFFF00, s22;
	[sflag:s18] =	ssyncset.done $0x0  }
0x5b: {  	s26 =	simm.s32 @!p0 $0x80;
	s28 =	simm.s32 @!p0 $0x4400;
	[sflag:s18] =	ssyncadd.s32 $0xFFFFC000  }
0x5c: {  	[tilespmem:s28], [sflag:$0x1] =	stream.indirect.gather @!p0 [hbm4b:s2+s26], $0x80, s25, s26, $0xb8;
	v63 =	vld [tilespmem:$0x0]  }
0x5d: {  	s31 =	rddreg [dreg:$0x9]  }
0x5e: {  	[spmem:s3] =	stream.indirect.scatter.add.f32 [tilespmem:s19], [sflag:$0x2], $0x80, s31, s6, $0xb8;
	v63 =	vld [tilespmem:$0x0]  }
0x5f: {  	_ =	swait.ge [sflag:s17], $0x4000  }
0x60: {  	[sflag:s17] =	ssyncset.done $0x0  }
0x61: {  	s30 =	sadd.s32 $0xFFFFFFFF, s21;
	[sflag:s17] =	ssyncadd.s32 $0xFFFFC000  }
0x62: {  	p0 =	sge.u32 s30, s5;
	_ =	swait.ge [sflag:s18], $0x4000  }
0x63: {  	s25 =	sadd.s32 @!p0 $0xFFFFFF80, s22;
	[sflag:s18] =	ssyncset.done $0x0  }
0x64: {  	s26 =	simm.s32 @!p0 $0x80;
	s28 =	simm.s32 @!p0 $0x8400;
	[sflag:s18] =	ssyncadd.s32 $0xFFFFC000  }
0x65: {  	[tilespmem:s28], [sflag:$0x1] =	stream.indirect.gather @!p0 [hbm4b:s2+s26], $0x80, s25, s26, $0xb8;
	v63 =	vld [tilespmem:$0x0]  }
0x66: {  	s31 =	rddreg [dreg:$0xa]  }
0x67: {  	[spmem:s3] =	stream.indirect.scatter.add.f32 [tilespmem:s15], [sflag:$0x2], $0x80, s31, s6, $0xb8;
	v63 =	vld [tilespmem:$0x0]  }
0x68: {  	_ =	swait.ge [sflag:s17], $0x4000  }
0x69: {  	[sflag:s17] =	ssyncset.done $0x0  }
0x6a: {  	[sflag:s17] =	ssyncadd.s32 $0xFFFFC000  }
0x6b: {  	p0 =	sge.u32 s21, s5;
	_ =	swait.ge [sflag:s18], $0x4000  }
0x6c: {  	s24 =	sadd.s32 $0xFFFFFFFF, s24;
	s25 =	simm.s32 @!p0 $0x80;
	[sflag:s18] =	ssyncset.done $0x0  }
0x6d: {  	s26 =	simm.s32 @!p0 $0x4400;
	s31 =	rddreg [dreg:$0x4];
	[sflag:s18] =	ssyncadd.s32 $0xFFFFC000  }
0x6e: {  	[tilespmem:s26], [sflag:$0x1] =	stream.indirect.gather @!p0 [hbm4b:s2+s25], $0x80, s22, s25, $0xb8;
	v63 =	vld [tilespmem:$0x0]  }
0x6f: {  	p0 =	sne.s32 s31, s24  }
.Ltmp0:
0x70: {  	_ = 	snop;
	(pc) =	sbr.rel @p0 .LBB2_2-.Ltmp0, $4  }
0x71: {  	_ = 	snop  }
0x72: {  	s23 =	sadd.s32 $0x80, s23  }
0x73: {  	s21 =	sadd.s32 $0x8, s21;
	s30 =	rddreg [dreg:$0xb];
	s22 =	sadd.s32 $0x400, s22  }
0x74: {  	[spmem:s3] =	stream.indirect.scatter.add.f32 [tilespmem:s19], [sflag:$0x2], $0x80, s30, s6, $0xb8;
	v63 =	vld [tilespmem:$0x0]  }
0x75: {  	_ =	swait.ge [sflag:s18], $0x4000  }
0x76: {  	s20 =	sadd.s32 $0x1, s20;
	[sflag:s18] =	ssyncset.done $0x0  }
0x77: {  	p0 =	sne.s32 s20, s11;
	[sflag:s18] =	ssyncadd.s32 $0xFFFFC000  }
.Ltmp1:
0x78: {  	[bflag:$0x0] =	sbarrier.arrive $0xFFFF;
	(pc) =	sbr.rel @p0 .LBB2_1-.Ltmp1, $4  }
0x79: {  	[hbm:s10], [sflag:s8] =	dma.local [spmem:s13], $0x2780  }
0x7a: {  	_ =	swait.ge [sflag:s14], $0x2780  }
0x7b: {  	[sflag:s14] =	ssyncset.done $0x0  }
0x7c: {  	[sflag:s14] =	ssyncadd.s32 $0xFFFFD880  }
0x7d: {  	_ =	sfence.sel $0x180000  }
0x7e: {  	[bflag:$0x0] =	sbarrier.arrive $0xFFFF  }
0x7f: {  	p0 =	sne.s32 s1, $0x0;
	_ =	strace $0x9000004A  }
0x80: {  	s0 =	sadd.s32 @!p0 $0x100000, s0;
	[bflag:$0x2] =	sbarrier.arrive $0xFFFF  }
0x81: {  	[sflag:s0] =	ssyncadd.tile.s32 @!p0 $0x1;
	_ =	shalt  }
.Lfunc_end2:
_tile_overlayer_lowered:
.L_overlay_start_2:
0x82: {  	(tag) =	ssettag $0x2  }
0x83: {  	s0 =	rddreg [dreg:$0x0];
	s2 =	stileid.u32  }
0x84: {  	s1 =	rddreg [dreg:$0x1];
	p0 =	sne.s32 s2, $0x0  }
0x85: {  	s3 =	rddreg [dreg:$0x2];
	[bflag:$0x3] =	sbarrier.arrive $0xFFFF;
	s2 =	simm.s32 @!p0 $0x1C03  }
0x86: {  	[timem:s3], [sflag:s2] =	dma.local @!p0 [hbm:s0], s1  }
0x87: {  	s0 =	simm.s32 @!p0 $0x3  }
0x88: {  	_ =	swait.ge @!p0 [sflag:s0], s1  }
0x89: {  	s1 =	ssub.s32 @!p0 $0x0, s1;
	[sflag:s0] =	ssyncset.done @!p0 $0x0  }
0x8a: {  	[sflag:s0] =	ssyncadd.s32 @!p0 s1  }
0x8b: {  	[bflag:$0x3] =	sbarrier.arrive $0xFFFF  }
0x8c: {  	_ =	shalt  }

// kernel: kernel.14.cloned.1.call-start
scs
__scs_entry_jumppad:
0x0: {  	(pc) =	sbr.rel $0x88, $3  }
0x1: {  	(tag) =	ssettag $0x0;
	lr =	simm.s32 $0x1  }
0x2: {  	[smem:$0x3F9D] =	sst lr;
	_ =	strace $0xD0000000  }
0x3: {  	_ = 	snop  }
0x4: {  	_ = 	snop  }
0x5: {  	_ = 	snop  }
0x6: {  	_ = 	snop  }
0x7: {  	_ = 	snop  }
__scs_overlays_trampoline_lowered:
0x8: {  	[smem:$0x3FAC] =	sst s0  }
0x9: {  	[smem:$0x3FAD] =	sst s1  }
0xa: {  	[smem:$0x3FAE] =	sst s2  }
0xb: {  	[smem:$0x3FAF] =	sst s3  }
0xc: {  	[smem:$0x3FB0] =	sst s4  }
0xd: {  	[smem:$0x3FB1] =	sst s5  }
0xe: {  	[smem:$0x3FB2] =	sst s6  }
0xf: {  	[smem:$0x3FB3] =	sst s7  }
0x10: {  	[smem:$0x3FB4] =	sst s8  }
0x11: {  	[smem:$0x3FB5] =	sst s9;
	s0 =	simm.s32 @!p0 $0x0  }
0x12: {  	s1 =	sld [smem:$0x3F9B];
	s0 =	simm.s32 @p0 $0x1  }
0x13: {  	[smem:$0x3FB6] =	sst s0;
	s0 =	simm.s32 @!p1 $0x0  }
0x14: {  	s2 =	sld [smem:$0x3F9A];
	s0 =	simm.s32 @p1 $0x1  }
0x15: {  	[smem:$0x3FB7] =	sst s0;
	s0 =	simm.s32 @!p2 $0x0  }
0x16: {  	s3 =	sld [smem:$0x3FDB];
	s0 =	simm.s32 @p2 $0x1  }
0x17: {  	s4 =	simm.s32 $0x1BF5;
	[smem:$0x3FB9] =	sst s0  }
0x18: {  	s0 =	sld [smem:$0x3F9C];
	_ =	swait.ge [sflag:s4], $0x0  }
0x19: {  	s7 =	sld [smem:$0x3F9D]  }
0x1a: {  	s8 =	sadd.s32 $0xFFFFE003, lr  }
0x1b: {  	s9 =	sadd.s32 $0xFFFFFEF7, lr;
	s5 =	simm.s32 $0xFFFFFFFF;
	p2 =	slt.u32 s8, $0xFFFFF086  }
0x1c: {  	p1 =	slt.u32 s9, $0xF7A;
	s5 =	simm.s32 @!p2 $0x0  }
0x1d: {  	s5 =	simm.s32 @p1 $0x1;
	p0 =	seq.s32 s7, s2  }
0x1e: {  	s7 =	smul.u32 @!p0 $0xF7A, s2;
	p2 =	seq.s32 @!p0 s5, $0x0  }
0x1f: {  	s9 =	smul.u32 $0xF7A, s1;
	s8 =	simm.s32 @!p0 $0x1BF5;
	p2 =	por !p2, p0  }
0x20: {  	[sflag:s8] =	ssyncset.s32 @!p0 $0xFFFFF086;
	s6 =	sadd.s32 @!p0 s3, s7;
	s7 =	simm.s32 @!p0 $0x108  }
0x21: {  	s3 =	sadd.s32 s3, s9;
	s6 =	sadd.s32 @!p0 $0x88, s6;
	s7 =	simm.s32 @p2 $0x1082  }
0x22: {  	[simem:s7], [sflag:s8] =	dma.local @!p0 [hbm:s6], $0xF7A  }
0x23: {  	s9 =	sor.u32 $0xD0000000, s2;
	s6 =	simm.s32 $0x108;
	_ =	swait.ge @!p0 [sflag:s8], $0x0  }
0x24: {  	s3 =	sadd.s32 $0x88, s3;
	s6 =	simm.s32 @!p1 $0x1082;
	[sflag:s4] =	ssyncset.s32 $0xFFFFF086  }
0x25: {  	[simem:s6], [sflag:s4] =	dma.local [hbm:s3], $0xF7A  }
0x26: {  	[smem:$0x3F9D] =	sst s1;
	(tag) =	ssettag s2;
	_ =	strace s9  }
0x27: {  	s1 =	sld [smem:$0x3FAD]  }
0x28: {  	s2 =	sld [smem:$0x3FAE]  }
0x29: {  	s4 =	sld [smem:$0x3FB0]  }
0x2a: {  	p0 =	seq.s32 s5, $0x0;
	s5 =	sld [smem:$0x3FB1]  }
0x2b: {  	s6 =	sld [smem:$0x3FB2]  }
0x2c: {  	s7 =	sld [smem:$0x3FB3]  }
0x2d: {  	s3 =	simm.s32 $0x108;
	s8 =	sld [smem:$0x3FB4]  }
0x2e: {  	s3 =	simm.s32 @!p0 $0x1082;
	s9 =	sld [smem:$0x3FB5]  }
0x2f: {  	lr =	sadd.s32 s0, s3;
	s0 =	sld [smem:$0x3FAC]  }
0x30: {  	s3 =	sld [smem:$0x3FAF]  }
0x31: {  	[smem:$0x3FB8] =	sst s10  }
0x32: {  	s10 =	sld [smem:$0x3FB6];
	_ =	sdelay $0x3  }
0x33: {  	p0 =	seq.s32 s10, $0x1;
	s10 =	sld [smem:$0x3FB8];
	_ =	sdelay $0x3  }
0x34: {  	[smem:$0x3FB8] =	sst s10  }
0x35: {  	s10 =	sld [smem:$0x3FB7];
	_ =	sdelay $0x3  }
0x36: {  	p1 =	seq.s32 s10, $0x1;
	s10 =	sld [smem:$0x3FB8];
	_ =	sdelay $0x3  }
0x37: {  	[smem:$0x3FB8] =	sst s10  }
0x38: {  	s10 =	sld [smem:$0x3FB9]  }
0x39: {  	_ = 	snop;
	(pc) =	sbr.ind lr, $3  }
0x3a: {  	_ = 	snop  }
0x3b: {  	_ = 	snop  }
0x3c: {  	p2 =	seq.s32 s10, $0x1;
	s10 =	sld [smem:$0x3FB8]  }
0x3d: {  	_ =	shalt  }
0x3e: {  	_ =	shalt  }
0x3f: {  	_ =	shalt  }
0x40: {  	_ =	shalt  }
0x41: {  	_ =	shalt  }
0x42: {  	_ =	shalt  }
0x43: {  	_ =	shalt  }
0x44: {  	_ =	shalt  }
0x45: {  	_ =	shalt  }
0x46: {  	_ =	shalt  }
0x47: {  	_ =	shalt  }
0x48: {  	_ =	shalt  }
0x49: {  	_ =	shalt  }
0x4a: {  	_ =	shalt  }
0x4b: {  	_ =	shalt  }
0x4c: {  	_ =	shalt  }
0x4d: {  	_ =	shalt  }
0x4e: {  	_ =	shalt  }
0x4f: {  	_ =	shalt  }
0x50: {  	_ =	shalt  }
0x51: {  	_ =	shalt  }
0x52: {  	_ =	shalt  }
0x53: {  	_ =	shalt  }
0x54: {  	_ =	shalt  }
0x55: {  	_ =	shalt  }
0x56: {  	_ =	shalt  }
0x57: {  	_ =	shalt  }
0x58: {  	_ =	shalt  }
0x59: {  	_ =	shalt  }
0x5a: {  	_ =	shalt  }
0x5b: {  	_ =	shalt  }
0x5c: {  	_ =	shalt  }
0x5d: {  	_ =	shalt  }
0x5e: {  	_ =	shalt  }
0x5f: {  	_ =	shalt  }
0x60: {  	_ =	shalt  }
0x61: {  	_ =	shalt  }
0x62: {  	_ =	shalt  }
0x63: {  	_ =	shalt  }
0x64: {  	_ =	shalt  }
0x65: {  	_ =	shalt  }
0x66: {  	_ =	shalt  }
0x67: {  	_ =	shalt  }
0x68: {  	_ =	shalt  }
0x69: {  	_ =	shalt  }
0x6a: {  	_ =	shalt  }
0x6b: {  	_ =	shalt  }
0x6c: {  	_ =	shalt  }
0x6d: {  	_ =	shalt  }
0x6e: {  	_ =	shalt  }
0x6f: {  	_ =	shalt  }
0x70: {  	_ =	shalt  }
0x71: {  	_ =	shalt  }
0x72: {  	_ =	shalt  }
0x73: {  	_ =	shalt  }
0x74: {  	_ =	shalt  }
0x75: {  	_ =	shalt  }
0x76: {  	_ =	shalt  }
0x77: {  	_ =	shalt  }
0x78: {  	_ =	shalt  }
0x79: {  	_ =	shalt  }
0x7a: {  	_ =	shalt  }
0x7b: {  	_ =	shalt  }
0x7c: {  	_ =	shalt  }
0x7d: {  	_ =	shalt  }
0x7e: {  	_ =	shalt  }
0x7f: {  	_ =	shalt  }
0x80: {  	_ =	shalt  }
0x81: {  	_ =	shalt  }
0x82: {  	_ =	shalt  }
0x83: {  	_ =	shalt  }
0x84: {  	_ =	shalt  }
0x85: {  	_ =	shalt  }
0x86: {  	_ =	shalt  }
0x87: {  	_ =	shalt  }
.Lfunc_end0:
.L_simem_size_0:
called_computation.2_lowered:
.L_overlay_start_0:
0x88: {  	s2 =	sld [smem:$0x3FD9]  }
0x89: {  	s3 =	sld [smem:$0x3FFE];
	_ =	sdelay $0x1  }
0x8a: {  	s1 =	srdreg.scid  }
0x8b: {  	s0 =	sand.u32 $0x1, s1  }
0x8c: {  	s17 =	sshll.u32 s0, $0xA;
	s2 =	sadd.s32 s3, s2  }
0x8d: {  	s2 =	sadd.s32 s2, s17  }
0x8e: {  	[smem:$0x3FC4] =	sst s2  }
0x8f: {  	_ = 	snop  }
0x90: {  	s2 =	sld [smem:$0x3FD0];
	(tm) =	ssettm $0x1  }
0x91: {  	s18 =	sld [smem:$0x3FFB];
	_ =	sdelay $0x3  }
0x92: {  	_ =	strace s18  }
0x93: {  	s3 =	sld [smem:$0x3FFC];
	_ =	sdelay $0x3  }
0x94: {  	_ =	strace s3  }
0x95: {  	s3 =	sld [smem:$0x3FFD];
	_ =	sdelay $0x3  }
0x96: {  	_ =	strace s3  }
0x97: {  	_ =	strace $0x8FFFFFFF  }
0x98: {  	s19 =	sld [smem:$0x3FDB];
	_ =	sdelay $0x1  }
0x99: {  	s4 =	simm.s32 $_scs_section_size  }
0x9a: {  	s5 =	simm.s32 $_size__tile_overlayer_lowered;
	s6 =	simm.s32 $_tile_overlayer_lowered  }
0x9b: {  	s22 =	simm.s32 $0x1BFF;
	s21 =	sshll.u32 s6, $0x1;
	s3 =	sadd.s32 s4, s19  }
0x9c: {  	s7 =	simm.s32 $0x0;
	s20 =	sshll.u32 s5, $0x1;
	s5 =	sadd.s32 s21, s3  }
0x9d: {  	[timem:s7], [sflag:s22] =	dma.local [hbm:s5], s20  }
0x9e: {  	_ =	swait.ge [sflag:s22], s20  }
0x9f: {  	s4 =	ssub.s32 $0x0, s20;
	[sflag:s22] =	ssyncset.done $0x0  }
0xa0: {  	[sflag:s22] =	ssyncadd.s32 s4;
	_ =	sdelay $0x1  }
0xa1: {  	s23 =	simm.s32 $0x1B8B  }
0xa2: {  	_ =	swait.ge [sflag:s23], $0x1  }
0xa3: {  	[sflag:s23] =	ssyncset.done $0x0  }
0xa4: {  	s25 =	simm.s32 $0x1B8E;
	s24 =	sld [smem:$0x3FFE];
	[sflag:s23] =	ssyncadd.s32 $0xFFFFFFFF  }
0xa5: {  	s26 =	simm.s32 $execute0_lowered;
	[smem:$0x3FD2] =	sst s25  }
0xa6: {  	s5 =	sshll.u32 s26, $0x1;
	_ =	strace $0x8000004C;
	[dreg:$0x1] =	wrdreg $0xFFFFFFFF  }
0xa7: {  	s28 =	simm.s32 $_size_execute0_lowered;
	s3 =	sadd.s32 s3, s5;
	[dreg:$0x0] =	wrdreg $0x0  }
0xa8: {  	s5 =	sshll.u32 s28, $0x1;
	[dreg:$0x2] =	wrdreg s3  }
0xa9: {  	[dreg:$0x3] =	wrdreg s5  }
0xaa: {  	[dreg:$0x4] =	wrdreg $0xC0  }
0xab: {  	_ =	task [dreg:s7], $0x5FFFF  }
0xac: {  	[dreg:$0x1] =	wrdreg $0xFFFFFFFF  }
0xad: {  	[dreg:$0x0] =	wrdreg $0x60  }
0xae: {  	[dreg:$0x2] =	wrdreg s2  }
0xaf: {  	[dreg:$0x3] =	wrdreg s24  }
0xb0: {  	[dreg:$0x4] =	wrdreg $0xC4000  }
0xb1: {  	[dreg:$0x5] =	wrdreg $0x9  }
0xb2: {  	_ =	task.clear_ibuf [dreg:s7], $0x6FFFF;
	_ =	strace $0x9000004C  }
0xb3: {  	s29 =	simm.s32 $0x9;
	_ =	strace $0x8000004E  }
0xb4: {  	_ =	swait.ge [sflag:s29], $0x1  }
0xb5: {  	[sflag:s29] =	ssyncadd.s32 $0xFFFFFFFF  }
0xb6: {  	_ =	strace $0x9000004E  }
0xb7: {  	_ =	sfence  }
0xb8: {  	s30 =	sld [smem:$0x0];
	_ =	sdelay $0x2  }
0xb9: {  	s31 =	sshll.u32 s1, $0xD;
	s1 =	sshrl.u32 s1, $0x2  }
0xba: {  	s3 =	sand.u32 $0x4000, s31;
	s1 =	sadd.s32 s1, s30  }
0xbb: {  	s0 =	sor.u32 s3, s0;
	s1 =	sshll.u32 s1, $0x11  }
0xbc: {  	s0 =	sor.u32 s1, s0  }
0xbd: {  	s0 =	sadd.s32 $0x8F2B, s0  }
0xbe: {  	[sflag:s0] =	ssyncadd.remote.s32 $0x1  }
0xbf: {  	_ =	sfence.sel $0xFFFF  }
0xc0: {  	[dreg:$0x0] =	wrdreg $0xFFFFFFFF;
	(pc) =	sbr.abs _section_cstart, $3  }
0xc1: {  	[dreg:$0x1] =	wrdreg $0xFFFFFFFF  }
0xc2: {  	_ =	task.clear_ibuf [dreg:s7], $0x2FFFF;
	_ =	strace $0x9FFFFFFF  }
0xc3: {  	(tm) =	ssettm $0x7FFFFFFF  }
tec
execute0_lowered:
.L_overlay_start_1:
0x0: {  	(tag) =	ssettag $0x1  }
0x1: {  	s2 =	rddreg [dreg:$0x0]  }
0x2: {  	s5 =	rddreg [dreg:$0x1]  }
0x3: {  	s3 =	rddreg [dreg:$0x2]  }
0x4: {  	s4 =	srdreg.scid;
	s1 =	stileid.u32  }
0x5: {  	s0 =	rddreg [dreg:$0x3];
	s30 =	simm.s32 $0x4080;
	s31 =	simm.s32 $0x4100  }
0x6: {  	s16 =	simm.s32 $0x4180;
	s17 =	simm.s32 $0x4200;
	s18 =	simm.s32 $0x4280  }
0x7: {  	s19 =	simm.s32 $0x4300;
	s20 =	simm.s32 $0x4380;
	s6 =	sand.u32 $0x1, s4  }
0x8: {  	s22 =	sshll.u32 s1, $0x5;
	s4 =	simm.s32 $0x0;
	s23 =	smul.u32 $0x13C00, s1  }
0x9: {  	s7 =	sshll.u32 s1, $0x7;
	s10 =	smul.u32 $0x4F000, s1;
	[smem:$0x7FF] =	sst s4  }
0xa: {  	s28 =	sshll.u32 s1, $0x6;
	_ =	strace $0x8000004D;
	[dreg:$0x5] =	wrdreg s30  }
0xb: {  	p0 =	seq.s32 s6, $0x0;
	s8 =	sor.u32 $0x800, s22;
	[dreg:$0x6] =	wrdreg s31  }
0xc: {  	s9 =	smul.u32 $0x13C000, s6;
	s6 =	ssub.s32 $0x2, s6;
	[dreg:$0x7] =	wrdreg s16  }
0xd: {  	s8 =	smov.u32 @p0 s7;
	s24 =	sshrl.u32 s23, $0x3;
	[dreg:$0x8] =	wrdreg s17  }
0xe: {  	s25 =	sshrl.u32 s6, $0x1;
	s26 =	sshrl.u32 s10, $0x2;
	[dreg:$0x9] =	wrdreg s18  }
0xf: {  	s16 =	simm.s32 $0x4000;
	s17 =	simm.s32 $0x1;
	[dreg:$0xa] =	wrdreg s19  }
0x10: {  	s18 =	simm.s32 $0x2;
	s19 =	simm.s32 $0x8400;
	[dreg:$0xb] =	wrdreg s20  }
0x11: {  	s20 =	simm.s32 $0x0;
	s8 =	sshll.u32 s8, $0x4;
	s7 =	sadd.s32 s23, s9  }
0x12: {  	s13 =	ssub.s32 s6, s25;
	s6 =	simm.s32 $0x80;
	s14 =	sadd.s32 s26, s3  }
0x13: {  	s12 =	sadd.s32 s8, s5;
	s8 =	sadd.s32 s24, s5;
	s7 =	sshrl.u32 s7, $0x3  }
0x14: {  	s11 =	sadd.s32 s7, s5;
	s5 =	simm.s32 $0x80;
	s7 =	sadd.s32 $0x20800, s8  }
0x15: {  	s8 =	sor.u32 $0x1C03, s28;
	s9 =	sadd.s32 $0xBC00, s12;
	s5 =	simm.s32 @!p0 $0x20  }
0x16: {  	s12 =	sadd.s32 $0x16200, s12;
	s10 =	sadd.s32 $0x48000, s11;
	s15 =	sshrl.u32 s5, $0x3  }
0x17: {  	s11 =	smax.u32 s13, $0x1;
	s13 =	sshrl.u32 s14, $0x3;
	s29 =	ssub.s32 $0x0, s15  }
0x18: {  	s14 =	simm.s32 $0x3;
	s15 =	simm.s32 $0x4400;
	[dreg:$0x4] =	wrdreg s29  }
.LBB2_1:
0x19: {  	[spmem:s13], [sflag:s8] =	dma.local [hbm:s7], $0x2780  }
0x1a: {  	_ =	swait.ge [sflag:s14], $0x2780  }
0x1b: {  	[sflag:s14] =	ssyncset.done $0x0  }
0x1c: {  	[sflag:s14] =	ssyncadd.s32 $0xFFFFD880  }
0x1d: {  	[tilespmem:s4], [sflag:$0x3] =	stream.linear.gather [hbm4b:s9+s4], $0x4000, $0x38;
	v63 =	vld [tilespmem:$0x0]  }
0x1e: {  	_ =	swait.ge [sflag:s14], $0x4000  }
0x1f: {  	[sflag:s14] =	ssyncset.done $0x0  }
0x20: {  	s21 =	simm.s32 $0x8;
	s22 =	simm.s32 $0x400;
	[sflag:s14] =	ssyncadd.s32 $0xFFFFC000  }
0x21: {  	s23 =	smov.u32 s12;
	s24 =	simm.s32 $0x0;
	[bflag:$0x0] =	sbarrier.arrive $0xFFFF  }
0x22: {  	[tilespmem:s15], [sflag:$0x1] =	stream.indirect.gather [hbm4b:s2+s6], $0x80, s4, s6, $0xb8;
	v63 =	vld [tilespmem:$0x0]  }
.LBB2_2:
0x23: {  	p0 =	seq.s32 s24, $0x0  }
0x24: {  	s25 =	simm.s32 @!p0 $0x2  }
0x25: {  	_ =	swait.ge @!p0 [sflag:s25], $0x4000  }
0x26: {  	[sflag:s25] =	ssyncset.done @!p0 $0x0  }
0x27: {  	[sflag:s25] =	ssyncadd.s32 @!p0 $0xFFFFC000  }
0x28: {  	[tilespmem:s16], [sflag:$0x3] =	stream.linear.gather [hbm4b:s23+s4], $0x400, $0x38;
	v63 =	vld [tilespmem:$0x0]  }
0x29: {  	_ =	swait.ge [sflag:s14], $0x400  }
0x2a: {  	[sflag:s14] =	ssyncset.done $0x0  }
0x2b: {  	s28 =	sadd.s32 $0xFFFFFFF9, s21;
	[sflag:s14] =	ssyncadd.s32 $0xFFFFFC00  }
0x2c: {  	p0 =	sge.u32 s28, s5;
	_ =	swait.ge [sflag:s17], $0x4000  }
0x2d: {  	s25 =	sadd.s32 @!p0 $0xFFFFFC80, s22;
	[sflag:s17] =	ssyncset.done $0x0  }
0x2e: {  	s26 =	simm.s32 @!p0 $0x80;
	s28 =	simm.s32 @!p0 $0x8400;
	[sflag:s17] =	ssyncadd.s32 $0xFFFFC000  }
0x2f: {  	[tilespmem:s28], [sflag:$0x1] =	stream.indirect.gather @!p0 [hbm4b:s2+s26], $0x80, s25, s26, $0xb8;
	v63 =	vld [tilespmem:$0x0]  }
0x30: {  	_ = 	snop  }
0x31: {  	[spmem:s3] =	stream.indirect.scatter.add.f32 [tilespmem:s15], [sflag:$0x2], $0x80, s16, s6, $0xb8;
	v63 =	vld [tilespmem:$0x0]  }
0x32: {  	_ =	swait.ge [sflag:s17], $0x4000  }
0x33: {  	[sflag:s17] =	ssyncset.done $0x0  }
0x34: {  	s29 =	sadd.s32 $0xFFFFFFFA, s21;
	[sflag:s17] =	ssyncadd.s32 $0xFFFFC000  }
0x35: {  	p0 =	sge.u32 s29, s5;
	_ =	swait.ge [sflag:s18], $0x4000  }
0x36: {  	s25 =	sadd.s32 @!p0 $0xFFFFFD00, s22;
	[sflag:s18] =	ssyncset.done $0x0  }
0x37: {  	s26 =	simm.s32 @!p0 $0x80;
	s28 =	simm.s32 @!p0 $0x4400;
	[sflag:s18] =	ssyncadd.s32 $0xFFFFC000  }
0x38: {  	[tilespmem:s28], [sflag:$0x1] =	stream.indirect.gather @!p0 [hbm4b:s2+s26], $0x80, s25, s26, $0xb8;
	v63 =	vld [tilespmem:$0x0]  }
0x39: {  	s29 =	rddreg [dreg:$0x5]  }
0x3a: {  	[spmem:s3] =	stream.indirect.scatter.add.f32 [tilespmem:s19], [sflag:$0x2], $0x80, s29, s6, $0xb8;
	v63 =	vld [tilespmem:$0x0]  }
0x3b: {  	_ =	swait.ge [sflag:s17], $0x4000  }
0x3c: {  	[sflag:s17] =	ssyncset.done $0x0  }
0x3d: {  	s30 =	sadd.s32 $0xFFFFFFFB, s21;
	[sflag:s17] =	ssyncadd.s32 $0xFFFFC000  }
0x3e: {  	p0 =	sge.u32 s30, s5;
	_ =	swait.ge [sflag:s18], $0x4000  }
0x3f: {  	s25 =	sadd.s32 @!p0 $0xFFFFFD80, s22;
	[sflag:s18] =	ssyncset.done $0x0  }
0x40: {  	s26 =	simm.s32 @!p0 $0x80;
	s28 =	simm.s32 @!p0 $0x8400;
	[sflag:s18] =	ssyncadd.s32 $0xFFFFC000  }
0x41: {  	[tilespmem:s28], [sflag:$0x1] =	stream.indirect.gather @!p0 [hbm4b:s2+s26], $0x80, s25, s26, $0xb8;
	v63 =	vld [tilespmem:$0x0]  }
0x42: {  	s31 =	rddreg [dreg:$0x6]  }
0x43: {  	[spmem:s3] =	stream.indirect.scatter.add.f32 [tilespmem:s15], [sflag:$0x2], $0x80, s31, s6, $0xb8;
	v63 =	vld [tilespmem:$0x0]  }
0x44: {  	_ =	swait.ge [sflag:s17], $0x4000  }
0x45: {  	[sflag:s17] =	ssyncset.done $0x0  }
0x46: {  	s30 =	sadd.s32 $0xFFFFFFFC, s21;
	[sflag:s17] =	ssyncadd.s32 $0xFFFFC000  }
0x47: {  	p0 =	sge.u32 s30, s5;
	_ =	swait.ge [sflag:s18], $0x4000  }
0x48: {  	s25 =	sadd.s32 @!p0 $0xFFFFFE00, s22;
	[sflag:s18] =	ssyncset.done $0x0  }
0x49: {  	s26 =	simm.s32 @!p0 $0x80;
	s28 =	simm.s32 @!p0 $0x4400;
	[sflag:s18] =	ssyncadd.s32 $0xFFFFC000  }
0x4a: {  	[tilespmem:s28], [sflag:$0x1] =	stream.indirect.gather @!p0 [hbm4b:s2+s26], $0x80, s25, s26, $0xb8;
	v63 =	vld [tilespmem:$0x0]  }
0x4b: {  	s31 =	rddreg [dreg:$0x7]  }
0x4c: {  	[spmem:s3] =	stream.indirect.scatter.add.f32 [tilespmem:s19], [sflag:$0x2], $0x80, s31, s6, $0xb8;
	v63 =	vld [tilespmem:$0x0]  }
0x4d: {  	_ =	swait.ge [sflag:s17], $0x4000  }
0x4e: {  	[sflag:s17] =	ssyncset.done $0x0  }
0x4f: {  	s30 =	sadd.s32 $0xFFFFFFFD, s21;
	[sflag:s17] =	ssyncadd.s32 $0xFFFFC000  }
0x50: {  	p0 =	sge.u32 s30, s5;
	_ =	swait.ge [sflag:s18], $0x4000  }
0x51: {  	s25 =	sadd.s32 @!p0 $0xFFFFFE80, s22;
	[sflag:s18] =	ssyncset.done $0x0  }
0x52: {  	s26 =	simm.s32 @!p0 $0x80;
	s28 =	simm.s32 @!p0 $0x8400;
	[sflag:s18] =	ssyncadd.s32 $0xFFFFC000  }
0x53: {  	[tilespmem:s28], [sflag:$0x1] =	stream.indirect.gather @!p0 [hbm4b:s2+s26], $0x80, s25, s26, $0xb8;
	v63 =	vld [tilespmem:$0x0]  }
0x54: {  	s31 =	rddreg [dreg:$0x8]  }
0x55: {  	[spmem:s3] =	stream.indirect.scatter.add.f32 [tilespmem:s15], [sflag:$0x2], $0x80, s31, s6, $0xb8;
	v63 =	vld [tilespmem:$0x0]  }
0x56: {  	_ =	swait.ge [sflag:s17], $0x4000  }
0x57: {  	[sflag:s17] =	ssyncset.done $0x0  }
0x58: {  	s30 =	sadd.s32 $0xFFFFFFFE, s21;
	[sflag:s17] =	ssyncadd.s32 $0xFFFFC000  }
0x59: {  	p0 =	sge.u32 s30, s5;
	_ =	swait.ge [sflag:s18], $0x4000  }
0x5a: {  	s25 =	sadd.s32 @!p0 $0xFFFFFF00, s22;
	[sflag:s18] =	ssyncset.done $0x0  }
0x5b: {  	s26 =	simm.s32 @!p0 $0x80;
	s28 =	simm.s32 @!p0 $0x4400;
	[sflag:s18] =	ssyncadd.s32 $0xFFFFC000  }
0x5c: {  	[tilespmem:s28], [sflag:$0x1] =	stream.indirect.gather @!p0 [hbm4b:s2+s26], $0x80, s25, s26, $0xb8;
	v63 =	vld [tilespmem:$0x0]  }
0x5d: {  	s31 =	rddreg [dreg:$0x9]  }
0x5e: {  	[spmem:s3] =	stream.indirect.scatter.add.f32 [tilespmem:s19], [sflag:$0x2], $0x80, s31, s6, $0xb8;
	v63 =	vld [tilespmem:$0x0]  }
0x5f: {  	_ =	swait.ge [sflag:s17], $0x4000  }
0x60: {  	[sflag:s17] =	ssyncset.done $0x0  }
0x61: {  	s30 =	sadd.s32 $0xFFFFFFFF, s21;
	[sflag:s17] =	ssyncadd.s32 $0xFFFFC000  }
0x62: {  	p0 =	sge.u32 s30, s5;
	_ =	swait.ge [sflag:s18], $0x4000  }
0x63: {  	s25 =	sadd.s32 @!p0 $0xFFFFFF80, s22;
	[sflag:s18] =	ssyncset.done $0x0  }
0x64: {  	s26 =	simm.s32 @!p0 $0x80;
	s28 =	simm.s32 @!p0 $0x8400;
	[sflag:s18] =	ssyncadd.s32 $0xFFFFC000  }
0x65: {  	[tilespmem:s28], [sflag:$0x1] =	stream.indirect.gather @!p0 [hbm4b:s2+s26], $0x80, s25, s26, $0xb8;
	v63 =	vld [tilespmem:$0x0]  }
0x66: {  	s31 =	rddreg [dreg:$0xa]  }
0x67: {  	[spmem:s3] =	stream.indirect.scatter.add.f32 [tilespmem:s15], [sflag:$0x2], $0x80, s31, s6, $0xb8;
	v63 =	vld [tilespmem:$0x0]  }
0x68: {  	_ =	swait.ge [sflag:s17], $0x4000  }
0x69: {  	[sflag:s17] =	ssyncset.done $0x0  }
0x6a: {  	[sflag:s17] =	ssyncadd.s32 $0xFFFFC000  }
0x6b: {  	p0 =	sge.u32 s21, s5;
	_ =	swait.ge [sflag:s18], $0x4000  }
0x6c: {  	s24 =	sadd.s32 $0xFFFFFFFF, s24;
	s25 =	simm.s32 @!p0 $0x80;
	[sflag:s18] =	ssyncset.done $0x0  }
0x6d: {  	s26 =	simm.s32 @!p0 $0x4400;
	s31 =	rddreg [dreg:$0x4];
	[sflag:s18] =	ssyncadd.s32 $0xFFFFC000  }
0x6e: {  	[tilespmem:s26], [sflag:$0x1] =	stream.indirect.gather @!p0 [hbm4b:s2+s25], $0x80, s22, s25, $0xb8;
	v63 =	vld [tilespmem:$0x0]  }
0x6f: {  	p0 =	sne.s32 s31, s24  }
.Ltmp0:
0x70: {  	_ = 	snop;
	(pc) =	sbr.rel @p0 .LBB2_2-.Ltmp0, $4  }
0x71: {  	_ = 	snop  }
0x72: {  	s23 =	sadd.s32 $0x80, s23  }
0x73: {  	s21 =	sadd.s32 $0x8, s21;
	s30 =	rddreg [dreg:$0xb];
	s22 =	sadd.s32 $0x400, s22  }
0x74: {  	[spmem:s3] =	stream.indirect.scatter.add.f32 [tilespmem:s19], [sflag:$0x2], $0x80, s30, s6, $0xb8;
	v63 =	vld [tilespmem:$0x0]  }
0x75: {  	_ =	swait.ge [sflag:s18], $0x4000  }
0x76: {  	s20 =	sadd.s32 $0x1, s20;
	[sflag:s18] =	ssyncset.done $0x0  }
0x77: {  	p0 =	sne.s32 s20, s11;
	[sflag:s18] =	ssyncadd.s32 $0xFFFFC000  }
.Ltmp1:
0x78: {  	[bflag:$0x0] =	sbarrier.arrive $0xFFFF;
	(pc) =	sbr.rel @p0 .LBB2_1-.Ltmp1, $4  }
0x79: {  	[hbm:s10], [sflag:s8] =	dma.local [spmem:s13], $0x2780  }
0x7a: {  	_ =	swait.ge [sflag:s14], $0x2780  }
0x7b: {  	[sflag:s14] =	ssyncset.done $0x0  }
0x7c: {  	[sflag:s14] =	ssyncadd.s32 $0xFFFFD880  }
0x7d: {  	_ =	sfence.sel $0x180000  }
0x7e: {  	[bflag:$0x0] =	sbarrier.arrive $0xFFFF  }
0x7f: {  	p0 =	sne.s32 s1, $0x0;
	_ =	strace $0x9000004D  }
0x80: {  	s0 =	sadd.s32 @!p0 $0x100000, s0;
	[bflag:$0x2] =	sbarrier.arrive $0xFFFF  }
0x81: {  	[sflag:s0] =	ssyncadd.tile.s32 @!p0 $0x1;
	_ =	shalt  }
.Lfunc_end2:
_tile_overlayer_lowered:
.L_overlay_start_2:
0x82: {  	(tag) =	ssettag $0x2  }
0x83: {  	s0 =	rddreg [dreg:$0x0];
	s2 =	stileid.u32  }
0x84: {  	s1 =	rddreg [dreg:$0x1];
	p0 =	sne.s32 s2, $0x0  }
0x85: {  	s3 =	rddreg [dreg:$0x2];
	[bflag:$0x3] =	sbarrier.arrive $0xFFFF;
	s2 =	simm.s32 @!p0 $0x1C03  }
0x86: {  	[timem:s3], [sflag:s2] =	dma.local @!p0 [hbm:s0], s1  }
0x87: {  	s0 =	simm.s32 @!p0 $0x3  }
0x88: {  	_ =	swait.ge @!p0 [sflag:s0], s1  }
0x89: {  	s1 =	ssub.s32 @!p0 $0x0, s1;
	[sflag:s0] =	ssyncset.done @!p0 $0x0  }
0x8a: {  	[sflag:s0] =	ssyncadd.s32 @!p0 s1  }
0x8b: {  	[bflag:$0x3] =	sbarrier.arrive $0xFFFF  }
0x8c: {  	_ =	shalt  }

// kernel: kernel.8.cloned.1.call-start
scs
__scs_entry_jumppad:
0x0: {  	(pc) =	sbr.rel $0x88, $3  }
0x1: {  	(tag) =	ssettag $0x0;
	lr =	simm.s32 $0x1  }
0x2: {  	[smem:$0x3F9D] =	sst lr;
	_ =	strace $0xD0000000  }
0x3: {  	_ = 	snop  }
0x4: {  	_ = 	snop  }
0x5: {  	_ = 	snop  }
0x6: {  	_ = 	snop  }
0x7: {  	_ = 	snop  }
__scs_overlays_trampoline_lowered:
0x8: {  	[smem:$0x3FAC] =	sst s0  }
0x9: {  	[smem:$0x3FAD] =	sst s1  }
0xa: {  	[smem:$0x3FAE] =	sst s2  }
0xb: {  	[smem:$0x3FAF] =	sst s3  }
0xc: {  	[smem:$0x3FB0] =	sst s4  }
0xd: {  	[smem:$0x3FB1] =	sst s5  }
0xe: {  	[smem:$0x3FB2] =	sst s6  }
0xf: {  	[smem:$0x3FB3] =	sst s7  }
0x10: {  	[smem:$0x3FB4] =	sst s8  }
0x11: {  	[smem:$0x3FB5] =	sst s9;
	s0 =	simm.s32 @!p0 $0x0  }
0x12: {  	s1 =	sld [smem:$0x3F9B];
	s0 =	simm.s32 @p0 $0x1  }
0x13: {  	[smem:$0x3FB6] =	sst s0;
	s0 =	simm.s32 @!p1 $0x0  }
0x14: {  	s2 =	sld [smem:$0x3F9A];
	s0 =	simm.s32 @p1 $0x1  }
0x15: {  	[smem:$0x3FB7] =	sst s0;
	s0 =	simm.s32 @!p2 $0x0  }
0x16: {  	s3 =	sld [smem:$0x3FDB];
	s0 =	simm.s32 @p2 $0x1  }
0x17: {  	s4 =	simm.s32 $0x1BF5;
	[smem:$0x3FB9] =	sst s0  }
0x18: {  	s0 =	sld [smem:$0x3F9C];
	_ =	swait.ge [sflag:s4], $0x0  }
0x19: {  	s7 =	sld [smem:$0x3F9D]  }
0x1a: {  	s8 =	sadd.s32 $0xFFFFE003, lr  }
0x1b: {  	s9 =	sadd.s32 $0xFFFFFEF7, lr;
	s5 =	simm.s32 $0xFFFFFFFF;
	p2 =	slt.u32 s8, $0xFFFFF086  }
0x1c: {  	p1 =	slt.u32 s9, $0xF7A;
	s5 =	simm.s32 @!p2 $0x0  }
0x1d: {  	s5 =	simm.s32 @p1 $0x1;
	p0 =	seq.s32 s7, s2  }
0x1e: {  	s7 =	smul.u32 @!p0 $0xF7A, s2;
	p2 =	seq.s32 @!p0 s5, $0x0  }
0x1f: {  	s9 =	smul.u32 $0xF7A, s1;
	s8 =	simm.s32 @!p0 $0x1BF5;
	p2 =	por !p2, p0  }
0x20: {  	[sflag:s8] =	ssyncset.s32 @!p0 $0xFFFFF086;
	s6 =	sadd.s32 @!p0 s3, s7;
	s7 =	simm.s32 @!p0 $0x108  }
0x21: {  	s3 =	sadd.s32 s3, s9;
	s6 =	sadd.s32 @!p0 $0x88, s6;
	s7 =	simm.s32 @p2 $0x1082  }
0x22: {  	[simem:s7], [sflag:s8] =	dma.local @!p0 [hbm:s6], $0xF7A  }
0x23: {  	s9 =	sor.u32 $0xD0000000, s2;
	s6 =	simm.s32 $0x108;
	_ =	swait.ge @!p0 [sflag:s8], $0x0  }
0x24: {  	s3 =	sadd.s32 $0x88, s3;
	s6 =	simm.s32 @!p1 $0x1082;
	[sflag:s4] =	ssyncset.s32 $0xFFFFF086  }
0x25: {  	[simem:s6], [sflag:s4] =	dma.local [hbm:s3], $0xF7A  }
0x26: {  	[smem:$0x3F9D] =	sst s1;
	(tag) =	ssettag s2;
	_ =	strace s9  }
0x27: {  	s1 =	sld [smem:$0x3FAD]  }
0x28: {  	s2 =	sld [smem:$0x3FAE]  }
0x29: {  	s4 =	sld [smem:$0x3FB0]  }
0x2a: {  	p0 =	seq.s32 s5, $0x0;
	s5 =	sld [smem:$0x3FB1]  }
0x2b: {  	s6 =	sld [smem:$0x3FB2]  }
0x2c: {  	s7 =	sld [smem:$0x3FB3]  }
0x2d: {  	s3 =	simm.s32 $0x108;
	s8 =	sld [smem:$0x3FB4]  }
0x2e: {  	s3 =	simm.s32 @!p0 $0x1082;
	s9 =	sld [smem:$0x3FB5]  }
0x2f: {  	lr =	sadd.s32 s0, s3;
	s0 =	sld [smem:$0x3FAC]  }
0x30: {  	s3 =	sld [smem:$0x3FAF]  }
0x31: {  	[smem:$0x3FB8] =	sst s10  }
0x32: {  	s10 =	sld [smem:$0x3FB6];
	_ =	sdelay $0x3  }
0x33: {  	p0 =	seq.s32 s10, $0x1;
	s10 =	sld [smem:$0x3FB8];
	_ =	sdelay $0x3  }
0x34: {  	[smem:$0x3FB8] =	sst s10  }
0x35: {  	s10 =	sld [smem:$0x3FB7];
	_ =	sdelay $0x3  }
0x36: {  	p1 =	seq.s32 s10, $0x1;
	s10 =	sld [smem:$0x3FB8];
	_ =	sdelay $0x3  }
0x37: {  	[smem:$0x3FB8] =	sst s10  }
0x38: {  	s10 =	sld [smem:$0x3FB9]  }
0x39: {  	_ = 	snop;
	(pc) =	sbr.ind lr, $3  }
0x3a: {  	_ = 	snop  }
0x3b: {  	_ = 	snop  }
0x3c: {  	p2 =	seq.s32 s10, $0x1;
	s10 =	sld [smem:$0x3FB8]  }
0x3d: {  	_ =	shalt  }
0x3e: {  	_ =	shalt  }
0x3f: {  	_ =	shalt  }
0x40: {  	_ =	shalt  }
0x41: {  	_ =	shalt  }
0x42: {  	_ =	shalt  }
0x43: {  	_ =	shalt  }
0x44: {  	_ =	shalt  }
0x45: {  	_ =	shalt  }
0x46: {  	_ =	shalt  }
0x47: {  	_ =	shalt  }
0x48: {  	_ =	shalt  }
0x49: {  	_ =	shalt  }
0x4a: {  	_ =	shalt  }
0x4b: {  	_ =	shalt  }
0x4c: {  	_ =	shalt  }
0x4d: {  	_ =	shalt  }
0x4e: {  	_ =	shalt  }
0x4f: {  	_ =	shalt  }
0x50: {  	_ =	shalt  }
0x51: {  	_ =	shalt  }
0x52: {  	_ =	shalt  }
0x53: {  	_ =	shalt  }
0x54: {  	_ =	shalt  }
0x55: {  	_ =	shalt  }
0x56: {  	_ =	shalt  }
0x57: {  	_ =	shalt  }
0x58: {  	_ =	shalt  }
0x59: {  	_ =	shalt  }
0x5a: {  	_ =	shalt  }
0x5b: {  	_ =	shalt  }
0x5c: {  	_ =	shalt  }
0x5d: {  	_ =	shalt  }
0x5e: {  	_ =	shalt  }
0x5f: {  	_ =	shalt  }
0x60: {  	_ =	shalt  }
0x61: {  	_ =	shalt  }
0x62: {  	_ =	shalt  }
0x63: {  	_ =	shalt  }
0x64: {  	_ =	shalt  }
0x65: {  	_ =	shalt  }
0x66: {  	_ =	shalt  }
0x67: {  	_ =	shalt  }
0x68: {  	_ =	shalt  }
0x69: {  	_ =	shalt  }
0x6a: {  	_ =	shalt  }
0x6b: {  	_ =	shalt  }
0x6c: {  	_ =	shalt  }
0x6d: {  	_ =	shalt  }
0x6e: {  	_ =	shalt  }
0x6f: {  	_ =	shalt  }
0x70: {  	_ =	shalt  }
0x71: {  	_ =	shalt  }
0x72: {  	_ =	shalt  }
0x73: {  	_ =	shalt  }
0x74: {  	_ =	shalt  }
0x75: {  	_ =	shalt  }
0x76: {  	_ =	shalt  }
0x77: {  	_ =	shalt  }
0x78: {  	_ =	shalt  }
0x79: {  	_ =	shalt  }
0x7a: {  	_ =	shalt  }
0x7b: {  	_ =	shalt  }
0x7c: {  	_ =	shalt  }
0x7d: {  	_ =	shalt  }
0x7e: {  	_ =	shalt  }
0x7f: {  	_ =	shalt  }
0x80: {  	_ =	shalt  }
0x81: {  	_ =	shalt  }
0x82: {  	_ =	shalt  }
0x83: {  	_ =	shalt  }
0x84: {  	_ =	shalt  }
0x85: {  	_ =	shalt  }
0x86: {  	_ =	shalt  }
0x87: {  	_ =	shalt  }
.Lfunc_end0:
.L_simem_size_0:
called_computation_lowered:
.L_overlay_start_0:
0x88: {  	s2 =	sld [smem:$0x3FD9]  }
0x89: {  	s3 =	sld [smem:$0x3FFE];
	_ =	sdelay $0x1  }
0x8a: {  	s1 =	srdreg.scid  }
0x8b: {  	s0 =	sand.u32 $0x1, s1  }
0x8c: {  	s17 =	sshll.u32 s0, $0xA;
	s2 =	sadd.s32 s3, s2  }
0x8d: {  	s2 =	sadd.s32 s2, s17  }
0x8e: {  	[smem:$0x3FC4] =	sst s2  }
0x8f: {  	_ = 	snop  }
0x90: {  	s2 =	sld [smem:$0x3FD0];
	(tm) =	ssettm $0x1  }
0x91: {  	s18 =	sld [smem:$0x3FFB];
	_ =	sdelay $0x3  }
0x92: {  	_ =	strace s18  }
0x93: {  	s3 =	sld [smem:$0x3FFC];
	_ =	sdelay $0x3  }
0x94: {  	_ =	strace s3  }
0x95: {  	s3 =	sld [smem:$0x3FFD];
	_ =	sdelay $0x3  }
0x96: {  	_ =	strace s3  }
0x97: {  	_ =	strace $0x8FFFFFFF  }
0x98: {  	s19 =	sld [smem:$0x3FDB];
	_ =	sdelay $0x1  }
0x99: {  	s4 =	simm.s32 $_scs_section_size  }
0x9a: {  	s5 =	simm.s32 $_size__tile_overlayer_lowered;
	s6 =	simm.s32 $_tile_overlayer_lowered  }
0x9b: {  	s22 =	simm.s32 $0x1BFF;
	s21 =	sshll.u32 s6, $0x1;
	s3 =	sadd.s32 s4, s19  }
0x9c: {  	s7 =	simm.s32 $0x0;
	s20 =	sshll.u32 s5, $0x1;
	s5 =	sadd.s32 s21, s3  }
0x9d: {  	[timem:s7], [sflag:s22] =	dma.local [hbm:s5], s20  }
0x9e: {  	_ =	swait.ge [sflag:s22], s20  }
0x9f: {  	s4 =	ssub.s32 $0x0, s20;
	[sflag:s22] =	ssyncset.done $0x0  }
0xa0: {  	[sflag:s22] =	ssyncadd.s32 s4;
	_ =	sdelay $0x1  }
0xa1: {  	s23 =	simm.s32 $0x1B8B  }
0xa2: {  	_ =	swait.ge [sflag:s23], $0x1  }
0xa3: {  	[sflag:s23] =	ssyncset.done $0x0  }
0xa4: {  	s25 =	simm.s32 $0x1B8E;
	s24 =	sld [smem:$0x3FFE];
	[sflag:s23] =	ssyncadd.s32 $0xFFFFFFFF  }
0xa5: {  	s26 =	simm.s32 $execute0_lowered;
	[smem:$0x3FD2] =	sst s25  }
0xa6: {  	s5 =	sshll.u32 s26, $0x1;
	_ =	strace $0x80000046;
	[dreg:$0x1] =	wrdreg $0xFFFFFFFF  }
0xa7: {  	s28 =	simm.s32 $_size_execute0_lowered;
	s3 =	sadd.s32 s3, s5;
	[dreg:$0x0] =	wrdreg $0x0  }
0xa8: {  	s5 =	sshll.u32 s28, $0x1;
	[dreg:$0x2] =	wrdreg s3  }
0xa9: {  	[dreg:$0x3] =	wrdreg s5  }
0xaa: {  	[dreg:$0x4] =	wrdreg $0xC0  }
0xab: {  	_ =	task [dreg:s7], $0x5FFFF  }
0xac: {  	[dreg:$0x1] =	wrdreg $0xFFFFFFFF  }
0xad: {  	[dreg:$0x0] =	wrdreg $0x60  }
0xae: {  	[dreg:$0x2] =	wrdreg s2  }
0xaf: {  	[dreg:$0x3] =	wrdreg s24  }
0xb0: {  	[dreg:$0x4] =	wrdreg $0xC4000  }
0xb1: {  	[dreg:$0x5] =	wrdreg $0x9  }
0xb2: {  	_ =	task.clear_ibuf [dreg:s7], $0x6FFFF;
	_ =	strace $0x90000046  }
0xb3: {  	s29 =	simm.s32 $0x9;
	_ =	strace $0x80000048  }
0xb4: {  	_ =	swait.ge [sflag:s29], $0x1  }
0xb5: {  	[sflag:s29] =	ssyncadd.s32 $0xFFFFFFFF  }
0xb6: {  	_ =	strace $0x90000048  }
0xb7: {  	_ =	sfence  }
0xb8: {  	s30 =	sld [smem:$0x0];
	_ =	sdelay $0x2  }
0xb9: {  	s31 =	sshll.u32 s1, $0xD;
	s1 =	sshrl.u32 s1, $0x2  }
0xba: {  	s3 =	sand.u32 $0x4000, s31;
	s1 =	sadd.s32 s1, s30  }
0xbb: {  	s0 =	sor.u32 s3, s0;
	s1 =	sshll.u32 s1, $0x11  }
0xbc: {  	s0 =	sor.u32 s1, s0  }
0xbd: {  	s0 =	sadd.s32 $0x8F2B, s0  }
0xbe: {  	[sflag:s0] =	ssyncadd.remote.s32 $0x1  }
0xbf: {  	_ =	sfence.sel $0xFFFF  }
0xc0: {  	[dreg:$0x0] =	wrdreg $0xFFFFFFFF;
	(pc) =	sbr.abs _section_cstart, $3  }
0xc1: {  	[dreg:$0x1] =	wrdreg $0xFFFFFFFF  }
0xc2: {  	_ =	task.clear_ibuf [dreg:s7], $0x2FFFF;
	_ =	strace $0x9FFFFFFF  }
0xc3: {  	(tm) =	ssettm $0x7FFFFFFF  }
tec
execute0_lowered:
.L_overlay_start_1:
0x0: {  	(tag) =	ssettag $0x1  }
0x1: {  	s2 =	rddreg [dreg:$0x0]  }
0x2: {  	s5 =	rddreg [dreg:$0x1]  }
0x3: {  	s3 =	rddreg [dreg:$0x2]  }
0x4: {  	s4 =	srdreg.scid;
	s1 =	stileid.u32  }
0x5: {  	s0 =	rddreg [dreg:$0x3];
	s30 =	simm.s32 $0x4080;
	s31 =	simm.s32 $0x4100  }
0x6: {  	s16 =	simm.s32 $0x4180;
	s17 =	simm.s32 $0x4200;
	s18 =	simm.s32 $0x4280  }
0x7: {  	s19 =	simm.s32 $0x4300;
	s20 =	simm.s32 $0x4380;
	s6 =	sand.u32 $0x1, s4  }
0x8: {  	s22 =	sshll.u32 s1, $0x5;
	s4 =	simm.s32 $0x0;
	s23 =	smul.u32 $0x13C00, s1  }
0x9: {  	s7 =	sshll.u32 s1, $0x7;
	s10 =	smul.u32 $0x4F000, s1;
	[smem:$0x7FF] =	sst s4  }
0xa: {  	s28 =	sshll.u32 s1, $0x6;
	_ =	strace $0x80000047;
	[dreg:$0x5] =	wrdreg s30  }
0xb: {  	p0 =	seq.s32 s6, $0x0;
	s8 =	sor.u32 $0x800, s22;
	[dreg:$0x6] =	wrdreg s31  }
0xc: {  	s9 =	smul.u32 $0x13C000, s6;
	s6 =	ssub.s32 $0x2, s6;
	[dreg:$0x7] =	wrdreg s16  }
0xd: {  	s8 =	smov.u32 @p0 s7;
	s24 =	sshrl.u32 s23, $0x3;
	[dreg:$0x8] =	wrdreg s17  }
0xe: {  	s25 =	sshrl.u32 s6, $0x1;
	s26 =	sshrl.u32 s10, $0x2;
	[dreg:$0x9] =	wrdreg s18  }
0xf: {  	s16 =	simm.s32 $0x4000;
	s17 =	simm.s32 $0x1;
	[dreg:$0xa] =	wrdreg s19  }
0x10: {  	s18 =	simm.s32 $0x2;
	s19 =	simm.s32 $0x8400;
	[dreg:$0xb] =	wrdreg s20  }
0x11: {  	s20 =	simm.s32 $0x0;
	s8 =	sshll.u32 s8, $0x4;
	s7 =	sadd.s32 s23, s9  }
0x12: {  	s13 =	ssub.s32 s6, s25;
	s6 =	simm.s32 $0x80;
	s14 =	sadd.s32 s26, s3  }
0x13: {  	s12 =	sadd.s32 s8, s5;
	s8 =	sadd.s32 s24, s5;
	s7 =	sshrl.u32 s7, $0x3  }
0x14: {  	s11 =	sadd.s32 s7, s5;
	s5 =	simm.s32 $0x80;
	s7 =	sadd.s32 $0x20800, s8  }
0x15: {  	s8 =	sor.u32 $0x1C03, s28;
	s9 =	sadd.s32 $0x1600, s12;
	s5 =	simm.s32 @!p0 $0x20  }
0x16: {  	s12 =	sadd.s32 $0x16200, s12;
	s10 =	sadd.s32 $0x48000, s11;
	s15 =	sshrl.u32 s5, $0x3  }
0x17: {  	s11 =	smax.u32 s13, $0x1;
	s13 =	sshrl.u32 s14, $0x3;
	s29 =	ssub.s32 $0x0, s15  }
0x18: {  	s14 =	simm.s32 $0x3;
	s15 =	simm.s32 $0x4400;
	[dreg:$0x4] =	wrdreg s29  }
.LBB2_1:
0x19: {  	[spmem:s13], [sflag:s8] =	dma.local [hbm:s7], $0x2780  }
0x1a: {  	_ =	swait.ge [sflag:s14], $0x2780  }
0x1b: {  	[sflag:s14] =	ssyncset.done $0x0  }
0x1c: {  	[sflag:s14] =	ssyncadd.s32 $0xFFFFD880  }
0x1d: {  	[tilespmem:s4], [sflag:$0x3] =	stream.linear.gather [hbm4b:s9+s4], $0x4000, $0x38;
	v63 =	vld [tilespmem:$0x0]  }
0x1e: {  	_ =	swait.ge [sflag:s14], $0x4000  }
0x1f: {  	[sflag:s14] =	ssyncset.done $0x0  }
0x20: {  	s21 =	simm.s32 $0x8;
	s22 =	simm.s32 $0x400;
	[sflag:s14] =	ssyncadd.s32 $0xFFFFC000  }
0x21: {  	s23 =	smov.u32 s12;
	s24 =	simm.s32 $0x0;
	[bflag:$0x0] =	sbarrier.arrive $0xFFFF  }
0x22: {  	[tilespmem:s15], [sflag:$0x1] =	stream.indirect.gather [hbm4b:s2+s6], $0x80, s4, s6, $0xb8;
	v63 =	vld [tilespmem:$0x0]  }
.LBB2_2:
0x23: {  	p0 =	seq.s32 s24, $0x0  }
0x24: {  	s25 =	simm.s32 @!p0 $0x2  }
0x25: {  	_ =	swait.ge @!p0 [sflag:s25], $0x4000  }
0x26: {  	[sflag:s25] =	ssyncset.done @!p0 $0x0  }
0x27: {  	[sflag:s25] =	ssyncadd.s32 @!p0 $0xFFFFC000  }
0x28: {  	[tilespmem:s16], [sflag:$0x3] =	stream.linear.gather [hbm4b:s23+s4], $0x400, $0x38;
	v63 =	vld [tilespmem:$0x0]  }
0x29: {  	_ =	swait.ge [sflag:s14], $0x400  }
0x2a: {  	[sflag:s14] =	ssyncset.done $0x0  }
0x2b: {  	s28 =	sadd.s32 $0xFFFFFFF9, s21;
	[sflag:s14] =	ssyncadd.s32 $0xFFFFFC00  }
0x2c: {  	p0 =	sge.u32 s28, s5;
	_ =	swait.ge [sflag:s17], $0x4000  }
0x2d: {  	s25 =	sadd.s32 @!p0 $0xFFFFFC80, s22;
	[sflag:s17] =	ssyncset.done $0x0  }
0x2e: {  	s26 =	simm.s32 @!p0 $0x80;
	s28 =	simm.s32 @!p0 $0x8400;
	[sflag:s17] =	ssyncadd.s32 $0xFFFFC000  }
0x2f: {  	[tilespmem:s28], [sflag:$0x1] =	stream.indirect.gather @!p0 [hbm4b:s2+s26], $0x80, s25, s26, $0xb8;
	v63 =	vld [tilespmem:$0x0]  }
0x30: {  	_ = 	snop  }
0x31: {  	[spmem:s3] =	stream.indirect.scatter.add.f32 [tilespmem:s15], [sflag:$0x2], $0x80, s16, s6, $0xb8;
	v63 =	vld [tilespmem:$0x0]  }
0x32: {  	_ =	swait.ge [sflag:s17], $0x4000  }
0x33: {  	[sflag:s17] =	ssyncset.done $0x0  }
0x34: {  	s29 =	sadd.s32 $0xFFFFFFFA, s21;
	[sflag:s17] =	ssyncadd.s32 $0xFFFFC000  }
0x35: {  	p0 =	sge.u32 s29, s5;
	_ =	swait.ge [sflag:s18], $0x4000  }
0x36: {  	s25 =	sadd.s32 @!p0 $0xFFFFFD00, s22;
	[sflag:s18] =	ssyncset.done $0x0  }
0x37: {  	s26 =	simm.s32 @!p0 $0x80;
	s28 =	simm.s32 @!p0 $0x4400;
	[sflag:s18] =	ssyncadd.s32 $0xFFFFC000  }
0x38: {  	[tilespmem:s28], [sflag:$0x1] =	stream.indirect.gather @!p0 [hbm4b:s2+s26], $0x80, s25, s26, $0xb8;
	v63 =	vld [tilespmem:$0x0]  }
0x39: {  	s29 =	rddreg [dreg:$0x5]  }
0x3a: {  	[spmem:s3] =	stream.indirect.scatter.add.f32 [tilespmem:s19], [sflag:$0x2], $0x80, s29, s6, $0xb8;
	v63 =	vld [tilespmem:$0x0]  }
0x3b: {  	_ =	swait.ge [sflag:s17], $0x4000  }
0x3c: {  	[sflag:s17] =	ssyncset.done $0x0  }
0x3d: {  	s30 =	sadd.s32 $0xFFFFFFFB, s21;
	[sflag:s17] =	ssyncadd.s32 $0xFFFFC000  }
0x3e: {  	p0 =	sge.u32 s30, s5;
	_ =	swait.ge [sflag:s18], $0x4000  }
0x3f: {  	s25 =	sadd.s32 @!p0 $0xFFFFFD80, s22;
	[sflag:s18] =	ssyncset.done $0x0  }
0x40: {  	s26 =	simm.s32 @!p0 $0x80;
	s28 =	simm.s32 @!p0 $0x8400;
	[sflag:s18] =	ssyncadd.s32 $0xFFFFC000  }
0x41: {  	[tilespmem:s28], [sflag:$0x1] =	stream.indirect.gather @!p0 [hbm4b:s2+s26], $0x80, s25, s26, $0xb8;
	v63 =	vld [tilespmem:$0x0]  }
0x42: {  	s31 =	rddreg [dreg:$0x6]  }
0x43: {  	[spmem:s3] =	stream.indirect.scatter.add.f32 [tilespmem:s15], [sflag:$0x2], $0x80, s31, s6, $0xb8;
	v63 =	vld [tilespmem:$0x0]  }
0x44: {  	_ =	swait.ge [sflag:s17], $0x4000  }
0x45: {  	[sflag:s17] =	ssyncset.done $0x0  }
0x46: {  	s30 =	sadd.s32 $0xFFFFFFFC, s21;
	[sflag:s17] =	ssyncadd.s32 $0xFFFFC000  }
0x47: {  	p0 =	sge.u32 s30, s5;
	_ =	swait.ge [sflag:s18], $0x4000  }
0x48: {  	s25 =	sadd.s32 @!p0 $0xFFFFFE00, s22;
	[sflag:s18] =	ssyncset.done $0x0  }
0x49: {  	s26 =	simm.s32 @!p0 $0x80;
	s28 =	simm.s32 @!p0 $0x4400;
	[sflag:s18] =	ssyncadd.s32 $0xFFFFC000  }
0x4a: {  	[tilespmem:s28], [sflag:$0x1] =	stream.indirect.gather @!p0 [hbm4b:s2+s26], $0x80, s25, s26, $0xb8;
	v63 =	vld [tilespmem:$0x0]  }
0x4b: {  	s31 =	rddreg [dreg:$0x7]  }
0x4c: {  	[spmem:s3] =	stream.indirect.scatter.add.f32 [tilespmem:s19], [sflag:$0x2], $0x80, s31, s6, $0xb8;
	v63 =	vld [tilespmem:$0x0]  }
0x4d: {  	_ =	swait.ge [sflag:s17], $0x4000  }
0x4e: {  	[sflag:s17] =	ssyncset.done $0x0  }
0x4f: {  	s30 =	sadd.s32 $0xFFFFFFFD, s21;
	[sflag:s17] =	ssyncadd.s32 $0xFFFFC000  }
0x50: {  	p0 =	sge.u32 s30, s5;
	_ =	swait.ge [sflag:s18], $0x4000  }
0x51: {  	s25 =	sadd.s32 @!p0 $0xFFFFFE80, s22;
	[sflag:s18] =	ssyncset.done $0x0  }
0x52: {  	s26 =	simm.s32 @!p0 $0x80;
	s28 =	simm.s32 @!p0 $0x8400;
	[sflag:s18] =	ssyncadd.s32 $0xFFFFC000  }
0x53: {  	[tilespmem:s28], [sflag:$0x1] =	stream.indirect.gather @!p0 [hbm4b:s2+s26], $0x80, s25, s26, $0xb8;
	v63 =	vld [tilespmem:$0x0]  }
0x54: {  	s31 =	rddreg [dreg:$0x8]  }
0x55: {  	[spmem:s3] =	stream.indirect.scatter.add.f32 [tilespmem:s15], [sflag:$0x2], $0x80, s31, s6, $0xb8;
	v63 =	vld [tilespmem:$0x0]  }
0x56: {  	_ =	swait.ge [sflag:s17], $0x4000  }
0x57: {  	[sflag:s17] =	ssyncset.done $0x0  }
0x58: {  	s30 =	sadd.s32 $0xFFFFFFFE, s21;
	[sflag:s17] =	ssyncadd.s32 $0xFFFFC000  }
0x59: {  	p0 =	sge.u32 s30, s5;
	_ =	swait.ge [sflag:s18], $0x4000  }
0x5a: {  	s25 =	sadd.s32 @!p0 $0xFFFFFF00, s22;
	[sflag:s18] =	ssyncset.done $0x0  }
0x5b: {  	s26 =	simm.s32 @!p0 $0x80;
	s28 =	simm.s32 @!p0 $0x4400;
	[sflag:s18] =	ssyncadd.s32 $0xFFFFC000  }
0x5c: {  	[tilespmem:s28], [sflag:$0x1] =	stream.indirect.gather @!p0 [hbm4b:s2+s26], $0x80, s25, s26, $0xb8;
	v63 =	vld [tilespmem:$0x0]  }
0x5d: {  	s31 =	rddreg [dreg:$0x9]  }
0x5e: {  	[spmem:s3] =	stream.indirect.scatter.add.f32 [tilespmem:s19], [sflag:$0x2], $0x80, s31, s6, $0xb8;
	v63 =	vld [tilespmem:$0x0]  }
0x5f: {  	_ =	swait.ge [sflag:s17], $0x4000  }
0x60: {  	[sflag:s17] =	ssyncset.done $0x0  }
0x61: {  	s30 =	sadd.s32 $0xFFFFFFFF, s21;
	[sflag:s17] =	ssyncadd.s32 $0xFFFFC000  }
0x62: {  	p0 =	sge.u32 s30, s5;
	_ =	swait.ge [sflag:s18], $0x4000  }
0x63: {  	s25 =	sadd.s32 @!p0 $0xFFFFFF80, s22;
	[sflag:s18] =	ssyncset.done $0x0  }
0x64: {  	s26 =	simm.s32 @!p0 $0x80;
	s28 =	simm.s32 @!p0 $0x8400;
	[sflag:s18] =	ssyncadd.s32 $0xFFFFC000  }
0x65: {  	[tilespmem:s28], [sflag:$0x1] =	stream.indirect.gather @!p0 [hbm4b:s2+s26], $0x80, s25, s26, $0xb8;
	v63 =	vld [tilespmem:$0x0]  }
0x66: {  	s31 =	rddreg [dreg:$0xa]  }
0x67: {  	[spmem:s3] =	stream.indirect.scatter.add.f32 [tilespmem:s15], [sflag:$0x2], $0x80, s31, s6, $0xb8;
	v63 =	vld [tilespmem:$0x0]  }
0x68: {  	_ =	swait.ge [sflag:s17], $0x4000  }
0x69: {  	[sflag:s17] =	ssyncset.done $0x0  }
0x6a: {  	[sflag:s17] =	ssyncadd.s32 $0xFFFFC000  }
0x6b: {  	p0 =	sge.u32 s21, s5;
	_ =	swait.ge [sflag:s18], $0x4000  }
0x6c: {  	s24 =	sadd.s32 $0xFFFFFFFF, s24;
	s25 =	simm.s32 @!p0 $0x80;
	[sflag:s18] =	ssyncset.done $0x0  }
0x6d: {  	s26 =	simm.s32 @!p0 $0x4400;
	s31 =	rddreg [dreg:$0x4];
	[sflag:s18] =	ssyncadd.s32 $0xFFFFC000  }
0x6e: {  	[tilespmem:s26], [sflag:$0x1] =	stream.indirect.gather @!p0 [hbm4b:s2+s25], $0x80, s22, s25, $0xb8;
	v63 =	vld [tilespmem:$0x0]  }
0x6f: {  	p0 =	sne.s32 s31, s24  }
.Ltmp0:
0x70: {  	_ = 	snop;
	(pc) =	sbr.rel @p0 .LBB2_2-.Ltmp0, $4  }
0x71: {  	_ = 	snop  }
0x72: {  	s23 =	sadd.s32 $0x80, s23  }
0x73: {  	s21 =	sadd.s32 $0x8, s21;
	s30 =	rddreg [dreg:$0xb];
	s22 =	sadd.s32 $0x400, s22  }
0x74: {  	[spmem:s3] =	stream.indirect.scatter.add.f32 [tilespmem:s19], [sflag:$0x2], $0x80, s30, s6, $0xb8;
	v63 =	vld [tilespmem:$0x0]  }
0x75: {  	_ =	swait.ge [sflag:s18], $0x4000  }
0x76: {  	s20 =	sadd.s32 $0x1, s20;
	[sflag:s18] =	ssyncset.done $0x0  }
0x77: {  	p0 =	sne.s32 s20, s11;
	[sflag:s18] =	ssyncadd.s32 $0xFFFFC000  }
.Ltmp1:
0x78: {  	[bflag:$0x0] =	sbarrier.arrive $0xFFFF;
	(pc) =	sbr.rel @p0 .LBB2_1-.Ltmp1, $4  }
0x79: {  	[hbm:s10], [sflag:s8] =	dma.local [spmem:s13], $0x2780  }
0x7a: {  	_ =	swait.ge [sflag:s14], $0x2780  }
0x7b: {  	[sflag:s14] =	ssyncset.done $0x0  }
0x7c: {  	[sflag:s14] =	ssyncadd.s32 $0xFFFFD880  }
0x7d: {  	_ =	sfence.sel $0x180000  }
0x7e: {  	[bflag:$0x0] =	sbarrier.arrive $0xFFFF  }
0x7f: {  	p0 =	sne.s32 s1, $0x0;
	_ =	strace $0x90000047  }
0x80: {  	s0 =	sadd.s32 @!p0 $0x100000, s0;
	[bflag:$0x2] =	sbarrier.arrive $0xFFFF  }
0x81: {  	[sflag:s0] =	ssyncadd.tile.s32 @!p0 $0x1;
	_ =	shalt  }
.Lfunc_end2:
_tile_overlayer_lowered:
.L_overlay_start_2:
0x82: {  	(tag) =	ssettag $0x2  }
0x83: {  	s0 =	rddreg [dreg:$0x0];
	s2 =	stileid.u32  }
0x84: {  	s1 =	rddreg [dreg:$0x1];
	p0 =	sne.s32 s2, $0x0  }
0x85: {  	s3 =	rddreg [dreg:$0x2];
	[bflag:$0x3] =	sbarrier.arrive $0xFFFF;
	s2 =	simm.s32 @!p0 $0x1C03  }
0x86: {  	[timem:s3], [sflag:s2] =	dma.local @!p0 [hbm:s0], s1  }
0x87: {  	s0 =	simm.s32 @!p0 $0x3  }
0x88: {  	_ =	swait.ge @!p0 [sflag:s0], s1  }
0x89: {  	s1 =	ssub.s32 @!p0 $0x0, s1;
	[sflag:s0] =	ssyncset.done @!p0 $0x0  }
0x8a: {  	[sflag:s0] =	ssyncadd.s32 @!p0 s1  }
0x8b: {  	[bflag:$0x3] =	sbarrier.arrive $0xFFFF  }
0x8c: {  	_ =	shalt  }

</sc_bundles>
